<compile_context>
chip_gen: v7x
topology: tpu7x:2x2x1
jax: 0.10.2.dev20260603
libtpu: 0.0.44.dev20260713+nightly
codegen_flags: <defaults>
</compile_context>

<pallas_src>
import jax
import jax.numpy as jnp
from jax import lax
from jax.experimental import pallas as pl
from jax.experimental.pallas import tpu as pltpu, tpu_sc as plsc

_RADIUS2 = 0.3 * 0.3
_MAX = 16
_B = 8
_N = 2048
_ROWS = 9
_CPT = 512
_WORDS_PER_CENTER = _ROWS * _MAX
_WORDS_PER_TILE = _CPT * _WORDS_PER_CENTER
_CHUNKS = _N // 16


def _tile_body(pcs_hbm, out_hbm, ptx, pty, ptz, obuf, cand):
    info = plsc.get_sparse_core_info()
    nc = info.num_cores
    wid = lax.axis_index("s") * nc + lax.axis_index("c")
    batch = wid // 4
    base_center = (wid % 4) * _CPT

    pbase = batch * (3 * _N)
    pltpu.sync_copy(pcs_hbm.at[pl.ds(pbase, _N)], ptx)
    pltpu.sync_copy(pcs_hbm.at[pl.ds(pbase + _N, _N)], pty)
    pltpu.sync_copy(pcs_hbm.at[pl.ds(pbase + 2 * _N, _N)], ptz)

    lanes = lax.iota(jnp.int32, 16)
    zeros16 = jnp.zeros((16,), jnp.int32)

    def pair_body(g, _):
        i0 = base_center + g * 2
        ivs, cxs, cys, czs = [], [], [], []
        for t in range(2):
            iv = jnp.full((16,), i0 + t, jnp.int32)
            ivs.append(iv)
            cxs.append(plsc.load_gather(ptx, [iv]))
            cys.append(plsc.load_gather(pty, [iv]))
            czs.append(plsc.load_gather(ptz, [iv]))
            obase = (g * 2 + t) * _WORDS_PER_CENTER
            for r in range(_ROWS):
                obuf[pl.ds(obase + r * 16, 16)] = iv

        @plsc.parallel_loop(0, _CHUNKS, step=1, unroll=8,
                            carry=(jnp.int32(0), jnp.int32(_N + 16)))
        def ptr_ends(k, ptrs):
            j0 = k * 16
            xv = ptx[pl.ds(j0, 16)]
            yv = pty[pl.ds(j0, 16)]
            zv = ptz[pl.ds(j0, 16)]
            jvec = j0 + lanes
            out = []
            for t in range(2):
                dx = xv - cxs[t]
                dy = yv - cys[t]
                dz = zv - czs[t]
                d2 = dx * dx + dy * dy + dz * dz
                valid = d2 <= _RADIUS2
                plsc.store_compressed(cand.at[pl.ds(ptrs[t], 16)], jvec,
                                      mask=valid)
                out.append(ptrs[t]
                           + plsc.all_reduce_population_count(valid)[0])
            return tuple(out)

        for t in range(2):
            base = t * (_N + 16)
            ncand = ptr_ends[t] - base
            end_splat = jnp.full((16,), ptr_ends[t], jnp.int32)
            obase = (g * 2 + t) * _WORDS_PER_CENTER
            iv, cx, cy, cz = ivs[t], cxs[t], cys[t], czs[t]

            def cand_body(ct, cnts, base=base, end_splat=end_splat, iv=iv,
                          cx=cx, cy=cy, cz=cz, obase=obase):
                a0 = base + ct * 16
                jv = cand[pl.ds(a0, 16)]
                cmask = ((a0 + lanes) < end_splat) & (jv != iv)
                px = plsc.load_gather(ptx, [jv], mask=cmask)
                py = plsc.load_gather(pty, [jv], mask=cmask)
                pz = plsc.load_gather(ptz, [jv], mask=cmask)
                oct_id = (
                    (px > cx).astype(jnp.int32) * 4
                    + (py > cy).astype(jnp.int32) * 2
                    + (pz > cz).astype(jnp.int32)
                )
                new = []
                for o in range(8):
                    m = cmask & (oct_id == o)
                    pos = jnp.cumsum(m.astype(jnp.int32))
                    slot = cnts[o] + (pos - 1)
                    keep = m & (slot < _MAX)
                    addr = (obase + o * 16) + jnp.where(keep, slot, 0)
                    plsc.store_scatter(obuf, [addr], jv, mask=keep)
                    new.append(cnts[o] + plsc.all_reduce_population_count(m))
                return tuple(new)

            nchunks = (ncand + 15) // 16
            lax.fori_loop(0, nchunks, cand_body, (zeros16,) * 8)

        return _

    lax.fori_loop(0, _CPT // 2, pair_body, 0)

    pltpu.sync_copy(obuf, out_hbm.at[pl.ds(wid * _WORDS_PER_TILE, _WORDS_PER_TILE)])


@jax.jit
def kernel(pcs):
    mesh = plsc.VectorSubcoreMesh(core_axis_name="c", subcore_axis_name="s")
    flat = pl.kernel(
        _tile_body,
        out_type=jax.ShapeDtypeStruct((_B * _N * _WORDS_PER_CENTER,), jnp.int32),
        mesh=mesh,
        compiler_params=pltpu.CompilerParams(needs_layout_passes=False),
        scratch_types=[
            pltpu.VMEM((_N,), jnp.float32),
            pltpu.VMEM((_N,), jnp.float32),
            pltpu.VMEM((_N,), jnp.float32),
            pltpu.VMEM((_WORDS_PER_TILE,), jnp.int32),
            pltpu.VMEM((2 * (_N + 16),), jnp.int32),
        ],
    )(pcs.reshape(-1))
    return flat.reshape(_B, _N, _ROWS, _MAX)

# --- scband reference (transcript-rebuilt; emitter-appended) ---
"""Pipeline reference for scband-octant-query-58291296141632 (READ-ONLY COPY).

The authoritative reference and input builder live on the scoring server;
editing this copy changes nothing except your own understanding.
"""

import jax, jax.numpy as jnp
import numpy as np

RADIUS = 0.3
MAX_SAMPLES = 16


def setup_inputs(seed: int = 0) -> dict:
    key = jax.random.key(seed)
    pcs = jax.random.normal(key, (8, 3, 2048), dtype=jnp.float32)
    return {"pcs": pcs}


def _per_center(center, i, pts, radius, max_samples):
    # center: [3], i: scalar int, pts: [3, N]
    N = pts.shape[1]
    diff = pts - center[:, None]              # [3, N], vector from center to each point
    dist2 = jnp.sum(diff * diff, axis=0)      # [N]
    jidx = jnp.arange(N, dtype=jnp.int32)
    valid = (dist2 <= radius * radius) & (jidx != i)
    # octant id from sign of displacement along each axis (0..7)
    oct_id = (4 * (diff[0] > 0).astype(jnp.int32)
              + 2 * (diff[1] > 0).astype(jnp.int32)
              + (diff[2] > 0).astype(jnp.int32))
    onehot = valid[:, None] & (oct_id[:, None] == jnp.arange(8, dtype=jnp.int32)[None, :])  # [N, 8]
    rank = jnp.cumsum(onehot.astype(jnp.int32), axis=0) - 1   # slot within octant, in original point order
    keep = onehot & (rank < max_samples)
    # default fill: index of the center point; octant 8 stays all-center
    out = jnp.full((9, max_samples), i, dtype=jnp.int32)
    o_idx = jnp.broadcast_to(jnp.arange(8, dtype=jnp.int32)[None, :], (N, 8))
    r_idx = jnp.where(keep, rank, max_samples)  # out-of-bounds -> dropped
    vals = jnp.broadcast_to(jidx[:, None], (N, 8))
    out = out.at[o_idx.ravel(), r_idx.ravel()].set(vals.ravel(), mode="drop")
    return out


def _octant_query(pts, radius, max_samples):
    # pts: [3, N] -> [N, 9, max_samples]
    N = pts.shape[1]
    centers_idx = jnp.arange(N, dtype=jnp.int32)
    return jax.vmap(lambda c, i: _per_center(c, i, pts, radius, max_samples),
                    in_axes=(1, 0))(pts, centers_idx)


def reference(pcs):
    # pcs: [B, 3, N] -> indices: [B, N, 9, max_samples]
    return jax.lax.map(lambda p: _octant_query(p, RADIUS, MAX_SAMPLES), pcs)

if __name__ == "__main__":
    import jax
    _d = setup_inputs()
    print(jax.jit(kernel)(*tuple(_d.values())))

</pallas_src>

<mosaic_0001>
#map = affine_map<(d0, d1) -> (0)>
module attributes {stable_mosaic.version = 14 : i64} {
  func.func @_tile_body(%arg0: i32, %arg1: i32, %arg2: memref<49152xf32, #tpu.memory_space<hbm>>, %arg3: memref<2359296xi32, #tpu.memory_space<hbm>>, %arg4: memref<2048xf32, #tpu.memory_space<vmem>>, %arg5: memref<2048xf32, #tpu.memory_space<vmem>>, %arg6: memref<2048xf32, #tpu.memory_space<vmem>>, %arg7: memref<73728xi32, #tpu.memory_space<vmem>>, %arg8: memref<4128xi32, #tpu.memory_space<vmem>>) attributes {dimension_semantics = [#tpu.dimension_semantics<core_parallel>, #tpu.dimension_semantics<subcore_parallel>], iteration_bounds = array<i64: 2, 16>, scalar_prefetch = 0 : i64, scratch_operands = 5 : i64, tpu.core_type = #tpu.core_type<sc_vector_subcore>, window_params = [{transform_indices = #map}, {transform_indices = #map}]} {
    %mul3A = arith.constant 2 : i32
    %mul3A_0 = arith.muli %arg1, %mul3A : i32
    %add3A = arith.addi %mul3A_0, %arg0 : i32
    %jit3A = arith.constant 4 : i32
    %div3A = arith.divsi %add3A, %jit3A : i32
    %sign3A = arith.constant 0 : i32
    %sign3A_1 = arith.cmpi sgt, %add3A, %sign3A : i32
    %sign3A_2 = arith.extui %sign3A_1 : i1 to i32
    %sign3A_3 = arith.constant 0 : i32
    %sign3A_4 = arith.cmpi slt, %add3A, %sign3A_3 : i32
    %sign3A_5 = arith.extui %sign3A_4 : i1 to i32
    %sign3A_6 = arith.subi %sign3A_2, %sign3A_5 : i32
    %sign3A_7 = arith.constant 0 : i32
    %sign3A_8 = arith.cmpi sgt, %jit3A, %sign3A_7 : i32
    %sign3A_9 = arith.extui %sign3A_8 : i1 to i32
    %sign3A_10 = arith.constant 0 : i32
    %sign3A_11 = arith.cmpi slt, %jit3A, %sign3A_10 : i32
    %sign3A_12 = arith.extui %sign3A_11 : i1 to i32
    %sign3A_13 = arith.subi %sign3A_9, %sign3A_12 : i32
    %ne3A = arith.cmpi ne, %sign3A_6, %sign3A_13 : i32
    %rem3A = arith.remsi %add3A, %jit3A : i32
    %ne3A_14 = arith.constant 0 : i32
    %ne3A_15 = arith.cmpi ne, %rem3A, %ne3A_14 : i32
    %and3A = arith.andi %ne3A, %ne3A_15 : i1
    %sub3A = arith.constant 1 : i32
    %sub3A_16 = arith.subi %div3A, %sub3A : i32
    %select_n3A = arith.select %and3A, %sub3A_16, %div3A : i32
    %jit3A_17 = arith.constant 4 : i32
    %eq3A = arith.constant 0 : i32
    %eq3A_18 = arith.cmpi eq, %jit3A_17, %eq3A : i32
    %jit3A_19 = arith.constant 1 : i32
    %select_n3A_20 = arith.select %eq3A_18, %jit3A_19, %jit3A_17 : i32
    %rem3A_21 = arith.remsi %add3A, %select_n3A_20 : i32
    %ne3A_22 = arith.constant 0 : i32
    %ne3A_23 = arith.cmpi ne, %rem3A_21, %ne3A_22 : i32
    %lt3A = arith.constant 0 : i32
    %lt3A_24 = arith.cmpi slt, %rem3A_21, %lt3A : i32
    %lt3A_25 = arith.constant 0 : i32
    %lt3A_26 = arith.cmpi slt, %select_n3A_20, %lt3A_25 : i32
    %ne3A_27 = arith.xori %lt3A_24, %lt3A_26 : i1
    %and3A_28 = arith.andi %ne3A_27, %ne3A_23 : i1
    %add3A_29 = arith.addi %rem3A_21, %select_n3A_20 : i32
    %select_n3A_30 = arith.select %and3A_28, %add3A_29, %rem3A_21 : i32
    %mul3A_31 = arith.constant 512 : i32
    %mul3A_32 = arith.muli %select_n3A_30, %mul3A_31 : i32
    %mul3A_33 = arith.constant 6144 : i32
    %mul3A_34 = arith.muli %select_n3A, %mul3A_33 : i32
    "tpu.region"() ({
      %run_scoped3A = tpu.sem_alloc : memref<!tpu.dma_semaphore, #tpu.memory_space<semaphore_mem>>
      %dma_start3A = tpu.memref_slice %arg2[%mul3A_34] : memref<49152xf32, #tpu.memory_space<hbm>> -> memref<2048xf32, #tpu.memory_space<hbm>>
      %dma_start3A_47 = tpu.memref_slice %arg2[%mul3A_34] : memref<49152xf32, #tpu.memory_space<hbm>> -> memref<2048xf32, #tpu.memory_space<hbm>>
      tpu.enqueue_dma source(%dma_start3A_47 : memref<2048xf32, #tpu.memory_space<hbm>>) target(%arg4 : memref<2048xf32, #tpu.memory_space<vmem>>) target_semaphore(%run_scoped3A : memref<!tpu.dma_semaphore, #tpu.memory_space<semaphore_mem>>)
      %dma_wait3A = tpu.memref_slice %arg2[%mul3A_34] : memref<49152xf32, #tpu.memory_space<hbm>> -> memref<2048xf32, #tpu.memory_space<hbm>>
      %dma_wait3A_48 = tpu.memref_slice %arg2[%mul3A_34] : memref<49152xf32, #tpu.memory_space<hbm>> -> memref<2048xf32, #tpu.memory_space<hbm>>
      tpu.wait_dma2 semaphore(%run_scoped3A : memref<!tpu.dma_semaphore, #tpu.memory_space<semaphore_mem>>) src(%dma_wait3A_48 : memref<2048xf32, #tpu.memory_space<hbm>>) dst(%arg4 : memref<2048xf32, #tpu.memory_space<vmem>>)
      tpu.yield
    }) : () -> ()
    %add3A_35 = arith.constant 2048 : i32
    %add3A_36 = arith.addi %mul3A_34, %add3A_35 : i32
    "tpu.region"() ({
      %run_scoped3A = tpu.sem_alloc : memref<!tpu.dma_semaphore, #tpu.memory_space<semaphore_mem>>
      %dma_start3A = tpu.memref_slice %arg2[%add3A_36] : memref<49152xf32, #tpu.memory_space<hbm>> -> memref<2048xf32, #tpu.memory_space<hbm>>
      %dma_start3A_47 = tpu.memref_slice %arg2[%add3A_36] : memref<49152xf32, #tpu.memory_space<hbm>> -> memref<2048xf32, #tpu.memory_space<hbm>>
      tpu.enqueue_dma source(%dma_start3A_47 : memref<2048xf32, #tpu.memory_space<hbm>>) target(%arg5 : memref<2048xf32, #tpu.memory_space<vmem>>) target_semaphore(%run_scoped3A : memref<!tpu.dma_semaphore, #tpu.memory_space<semaphore_mem>>)
      %dma_wait3A = tpu.memref_slice %arg2[%add3A_36] : memref<49152xf32, #tpu.memory_space<hbm>> -> memref<2048xf32, #tpu.memory_space<hbm>>
      %dma_wait3A_48 = tpu.memref_slice %arg2[%add3A_36] : memref<49152xf32, #tpu.memory_space<hbm>> -> memref<2048xf32, #tpu.memory_space<hbm>>
      tpu.wait_dma2 semaphore(%run_scoped3A : memref<!tpu.dma_semaphore, #tpu.memory_space<semaphore_mem>>) src(%dma_wait3A_48 : memref<2048xf32, #tpu.memory_space<hbm>>) dst(%arg5 : memref<2048xf32, #tpu.memory_space<vmem>>)
      tpu.yield
    }) : () -> ()
    %add3A_37 = arith.constant 4096 : i32
    %add3A_38 = arith.addi %mul3A_34, %add3A_37 : i32
    "tpu.region"() ({
      %run_scoped3A = tpu.sem_alloc : memref<!tpu.dma_semaphore, #tpu.memory_space<semaphore_mem>>
      %dma_start3A = tpu.memref_slice %arg2[%add3A_38] : memref<49152xf32, #tpu.memory_space<hbm>> -> memref<2048xf32, #tpu.memory_space<hbm>>
      %dma_start3A_47 = tpu.memref_slice %arg2[%add3A_38] : memref<49152xf32, #tpu.memory_space<hbm>> -> memref<2048xf32, #tpu.memory_space<hbm>>
      tpu.enqueue_dma source(%dma_start3A_47 : memref<2048xf32, #tpu.memory_space<hbm>>) target(%arg6 : memref<2048xf32, #tpu.memory_space<vmem>>) target_semaphore(%run_scoped3A : memref<!tpu.dma_semaphore, #tpu.memory_space<semaphore_mem>>)
      %dma_wait3A = tpu.memref_slice %arg2[%add3A_38] : memref<49152xf32, #tpu.memory_space<hbm>> -> memref<2048xf32, #tpu.memory_space<hbm>>
      %dma_wait3A_48 = tpu.memref_slice %arg2[%add3A_38] : memref<49152xf32, #tpu.memory_space<hbm>> -> memref<2048xf32, #tpu.memory_space<hbm>>
      tpu.wait_dma2 semaphore(%run_scoped3A : memref<!tpu.dma_semaphore, #tpu.memory_space<semaphore_mem>>) src(%dma_wait3A_48 : memref<2048xf32, #tpu.memory_space<hbm>>) dst(%arg6 : memref<2048xf32, #tpu.memory_space<vmem>>)
      tpu.yield
    }) : () -> ()
    %iota3A = tpu.iota {dimensions = array<i32: 0>} : vector<16xi32>
    %broadcast_in_dim3A = arith.constant 0 : i32
    %broadcast_in_dim3A_39 = vector.broadcast %broadcast_in_dim3A : i32 to vector<16xi32>
    %scan3A = arith.constant 0 : i32
    %scan3A_40 = arith.constant 0 : i32
    %scan3A_41 = arith.constant 256 : i32
    %scan3A_42 = arith.addi %scan3A_40, %scan3A_41 : i32
    %scan3A_43 = arith.constant 1 : i32
    scf.for %scan3A_47 = %scan3A_40 to %scan3A_42 step %scan3A_43  : i32 {
      %mul3A_48 = arith.constant 2 : i32
      %mul3A_49 = arith.muli %scan3A_47, %mul3A_48 : i32
      %add3A_50 = arith.addi %mul3A_32, %mul3A_49 : i32
      %add3A_51 = arith.constant 0 : i32
      %add3A_52 = arith.addi %add3A_50, %add3A_51 : i32
      %broadcast_in_dim3A_53 = vector.broadcast %add3A_52 : i32 to vector<16xi32>
      %gather3A = tpu.vector_load_idx %arg4[%broadcast_in_dim3A_53] : memref<2048xf32, #tpu.memory_space<vmem>>[vector<16xi32>], vector<16xf32>,
      %gather3A_54 = tpu.vector_load_idx %arg5[%broadcast_in_dim3A_53] : memref<2048xf32, #tpu.memory_space<vmem>>[vector<16xi32>], vector<16xf32>,
      %gather3A_55 = tpu.vector_load_idx %arg6[%broadcast_in_dim3A_53] : memref<2048xf32, #tpu.memory_space<vmem>>[vector<16xi32>], vector<16xf32>,
      %mul3A_56 = arith.constant 2 : i32
      %mul3A_57 = arith.muli %scan3A_47, %mul3A_56 : i32
      %add3A_58 = arith.constant 0 : i32
      %add3A_59 = arith.addi %mul3A_57, %add3A_58 : i32
      %mul3A_60 = arith.constant 144 : i32
      %mul3A_61 = arith.muli %add3A_59, %mul3A_60 : i32
      %add3A_62 = arith.constant 0 : i32
      %add3A_63 = arith.addi %mul3A_61, %add3A_62 : i32
      %swap3A = arith.index_cast %add3A_63 : i32 to index
      %swap3A_64 = tpu.vector_load %arg7[%swap3A] {strides = array<i32>} : memref<73728xi32, #tpu.memory_space<vmem>>, vector<16xi32>,
      tpu.vector_store %arg7[%swap3A], %broadcast_in_dim3A_53 {strides = array<i32>} : memref<73728xi32, #tpu.memory_space<vmem>>, vector<16xi32>,
      %add3A_65 = arith.constant 16 : i32
      %add3A_66 = arith.addi %mul3A_61, %add3A_65 : i32
      %swap3A_67 = arith.index_cast %add3A_66 : i32 to index
      %swap3A_68 = tpu.vector_load %arg7[%swap3A_67] {strides = array<i32>} : memref<73728xi32, #tpu.memory_space<vmem>>, vector<16xi32>,
      tpu.vector_store %arg7[%swap3A_67], %broadcast_in_dim3A_53 {strides = array<i32>} : memref<73728xi32, #tpu.memory_space<vmem>>, vector<16xi32>,
      %add3A_69 = arith.constant 32 : i32
      %add3A_70 = arith.addi %mul3A_61, %add3A_69 : i32
      %swap3A_71 = arith.index_cast %add3A_70 : i32 to index
      %swap3A_72 = tpu.vector_load %arg7[%swap3A_71] {strides = array<i32>} : memref<73728xi32, #tpu.memory_space<vmem>>, vector<16xi32>,
      tpu.vector_store %arg7[%swap3A_71], %broadcast_in_dim3A_53 {strides = array<i32>} : memref<73728xi32, #tpu.memory_space<vmem>>, vector<16xi32>,
      %add3A_73 = arith.constant 48 : i32
      %add3A_74 = arith.addi %mul3A_61, %add3A_73 : i32
      %swap3A_75 = arith.index_cast %add3A_74 : i32 to index
      %swap3A_76 = tpu.vector_load %arg7[%swap3A_75] {strides = array<i32>} : memref<73728xi32, #tpu.memory_space<vmem>>, vector<16xi32>,
      tpu.vector_store %arg7[%swap3A_75], %broadcast_in_dim3A_53 {strides = array<i32>} : memref<73728xi32, #tpu.memory_space<vmem>>, vector<16xi32>,
      %add3A_77 = arith.constant 64 : i32
      %add3A_78 = arith.addi %mul3A_61, %add3A_77 : i32
      %swap3A_79 = arith.index_cast %add3A_78 : i32 to index
      %swap3A_80 = tpu.vector_load %arg7[%swap3A_79] {strides = array<i32>} : memref<73728xi32, #tpu.memory_space<vmem>>, vector<16xi32>,
      tpu.vector_store %arg7[%swap3A_79], %broadcast_in_dim3A_53 {strides = array<i32>} : memref<73728xi32, #tpu.memory_space<vmem>>, vector<16xi32>,
      %add3A_81 = arith.constant 80 : i32
      %add3A_82 = arith.addi %mul3A_61, %add3A_81 : i32
      %swap3A_83 = arith.index_cast %add3A_82 : i32 to index
      %swap3A_84 = tpu.vector_load %arg7[%swap3A_83] {strides = array<i32>} : memref<73728xi32, #tpu.memory_space<vmem>>, vector<16xi32>,
      tpu.vector_store %arg7[%swap3A_83], %broadcast_in_dim3A_53 {strides = array<i32>} : memref<73728xi32, #tpu.memory_space<vmem>>, vector<16xi32>,
      %add3A_85 = arith.constant 96 : i32
      %add3A_86 = arith.addi %mul3A_61, %add3A_85 : i32
      %swap3A_87 = arith.index_cast %add3A_86 : i32 to index
      %swap3A_88 = tpu.vector_load %arg7[%swap3A_87] {strides = array<i32>} : memref<73728xi32, #tpu.memory_space<vmem>>, vector<16xi32>,
      tpu.vector_store %arg7[%swap3A_87], %broadcast_in_dim3A_53 {strides = array<i32>} : memref<73728xi32, #tpu.memory_space<vmem>>, vector<16xi32>,
      %add3A_89 = arith.constant 112 : i32
      %add3A_90 = arith.addi %mul3A_61, %add3A_89 : i32
      %swap3A_91 = arith.index_cast %add3A_90 : i32 to index
      %swap3A_92 = tpu.vector_load %arg7[%swap3A_91] {strides = array<i32>} : memref<73728xi32, #tpu.memory_space<vmem>>, vector<16xi32>,
      tpu.vector_store %arg7[%swap3A_91], %broadcast_in_dim3A_53 {strides = array<i32>} : memref<73728xi32, #tpu.memory_space<vmem>>, vector<16xi32>,
      %add3A_93 = arith.constant 128 : i32
      %add3A_94 = arith.addi %mul3A_61, %add3A_93 : i32
      %swap3A_95 = arith.index_cast %add3A_94 : i32 to index
      %swap3A_96 = tpu.vector_load %arg7[%swap3A_95] {strides = array<i32>} : memref<73728xi32, #tpu.memory_space<vmem>>, vector<16xi32>,
      tpu.vector_store %arg7[%swap3A_95], %broadcast_in_dim3A_53 {strides = array<i32>} : memref<73728xi32, #tpu.memory_space<vmem>>, vector<16xi32>,
      %add3A_97 = arith.constant 1 : i32
      %add3A_98 = arith.addi %add3A_50, %add3A_97 : i32
      %broadcast_in_dim3A_99 = vector.broadcast %add3A_98 : i32 to vector<16xi32>
      %gather3A_100 = tpu.vector_load_idx %arg4[%broadcast_in_dim3A_99] : memref<2048xf32, #tpu.memory_space<vmem>>[vector<16xi32>], vector<16xf32>,
      %gather3A_101 = tpu.vector_load_idx %arg5[%broadcast_in_dim3A_99] : memref<2048xf32, #tpu.memory_space<vmem>>[vector<16xi32>], vector<16xf32>,
      %gather3A_102 = tpu.vector_load_idx %arg6[%broadcast_in_dim3A_99] : memref<2048xf32, #tpu.memory_space<vmem>>[vector<16xi32>], vector<16xf32>,
      %mul3A_103 = arith.constant 2 : i32
      %mul3A_104 = arith.muli %scan3A_47, %mul3A_103 : i32
      %add3A_105 = arith.constant 1 : i32
      %add3A_106 = arith.addi %mul3A_104, %add3A_105 : i32
      %mul3A_107 = arith.constant 144 : i32
      %mul3A_108 = arith.muli %add3A_106, %mul3A_107 : i32
      %add3A_109 = arith.constant 0 : i32
      %add3A_110 = arith.addi %mul3A_108, %add3A_109 : i32
      %swap3A_111 = arith.index_cast %add3A_110 : i32 to index
      %swap3A_112 = tpu.vector_load %arg7[%swap3A_111] {strides = array<i32>} : memref<73728xi32, #tpu.memory_space<vmem>>, vector<16xi32>,
      tpu.vector_store %arg7[%swap3A_111], %broadcast_in_dim3A_99 {strides = array<i32>} : memref<73728xi32, #tpu.memory_space<vmem>>, vector<16xi32>,
      %add3A_113 = arith.constant 16 : i32
      %add3A_114 = arith.addi %mul3A_108, %add3A_113 : i32
      %swap3A_115 = arith.index_cast %add3A_114 : i32 to index
      %swap3A_116 = tpu.vector_load %arg7[%swap3A_115] {strides = array<i32>} : memref<73728xi32, #tpu.memory_space<vmem>>, vector<16xi32>,
      tpu.vector_store %arg7[%swap3A_115], %broadcast_in_dim3A_99 {strides = array<i32>} : memref<73728xi32, #tpu.memory_space<vmem>>, vector<16xi32>,
      %add3A_117 = arith.constant 32 : i32
      %add3A_118 = arith.addi %mul3A_108, %add3A_117 : i32
      %swap3A_119 = arith.index_cast %add3A_118 : i32 to index
      %swap3A_120 = tpu.vector_load %arg7[%swap3A_119] {strides = array<i32>} : memref<73728xi32, #tpu.memory_space<vmem>>, vector<16xi32>,
      tpu.vector_store %arg7[%swap3A_119], %broadcast_in_dim3A_99 {strides = array<i32>} : memref<73728xi32, #tpu.memory_space<vmem>>, vector<16xi32>,
      %add3A_121 = arith.constant 48 : i32
      %add3A_122 = arith.addi %mul3A_108, %add3A_121 : i32
      %swap3A_123 = arith.index_cast %add3A_122 : i32 to index
      %swap3A_124 = tpu.vector_load %arg7[%swap3A_123] {strides = array<i32>} : memref<73728xi32, #tpu.memory_space<vmem>>, vector<16xi32>,
      tpu.vector_store %arg7[%swap3A_123], %broadcast_in_dim3A_99 {strides = array<i32>} : memref<73728xi32, #tpu.memory_space<vmem>>, vector<16xi32>,
      %add3A_125 = arith.constant 64 : i32
      %add3A_126 = arith.addi %mul3A_108, %add3A_125 : i32
      %swap3A_127 = arith.index_cast %add3A_126 : i32 to index
      %swap3A_128 = tpu.vector_load %arg7[%swap3A_127] {strides = array<i32>} : memref<73728xi32, #tpu.memory_space<vmem>>, vector<16xi32>,
      tpu.vector_store %arg7[%swap3A_127], %broadcast_in_dim3A_99 {strides = array<i32>} : memref<73728xi32, #tpu.memory_space<vmem>>, vector<16xi32>,
      %add3A_129 = arith.constant 80 : i32
      %add3A_130 = arith.addi %mul3A_108, %add3A_129 : i32
      %swap3A_131 = arith.index_cast %add3A_130 : i32 to index
      %swap3A_132 = tpu.vector_load %arg7[%swap3A_131] {strides = array<i32>} : memref<73728xi32, #tpu.memory_space<vmem>>, vector<16xi32>,
      tpu.vector_store %arg7[%swap3A_131], %broadcast_in_dim3A_99 {strides = array<i32>} : memref<73728xi32, #tpu.memory_space<vmem>>, vector<16xi32>,
      %add3A_133 = arith.constant 96 : i32
      %add3A_134 = arith.addi %mul3A_108, %add3A_133 : i32
      %swap3A_135 = arith.index_cast %add3A_134 : i32 to index
      %swap3A_136 = tpu.vector_load %arg7[%swap3A_135] {strides = array<i32>} : memref<73728xi32, #tpu.memory_space<vmem>>, vector<16xi32>,
      tpu.vector_store %arg7[%swap3A_135], %broadcast_in_dim3A_99 {strides = array<i32>} : memref<73728xi32, #tpu.memory_space<vmem>>, vector<16xi32>,
      %add3A_137 = arith.constant 112 : i32
      %add3A_138 = arith.addi %mul3A_108, %add3A_137 : i32
      %swap3A_139 = arith.index_cast %add3A_138 : i32 to index
      %swap3A_140 = tpu.vector_load %arg7[%swap3A_139] {strides = array<i32>} : memref<73728xi32, #tpu.memory_space<vmem>>, vector<16xi32>,
      tpu.vector_store %arg7[%swap3A_139], %broadcast_in_dim3A_99 {strides = array<i32>} : memref<73728xi32, #tpu.memory_space<vmem>>, vector<16xi32>,
      %add3A_141 = arith.constant 128 : i32
      %add3A_142 = arith.addi %mul3A_108, %add3A_141 : i32
      %swap3A_143 = arith.index_cast %add3A_142 : i32 to index
      %swap3A_144 = tpu.vector_load %arg7[%swap3A_143] {strides = array<i32>} : memref<73728xi32, #tpu.memory_space<vmem>>, vector<16xi32>,
      tpu.vector_store %arg7[%swap3A_143], %broadcast_in_dim3A_99 {strides = array<i32>} : memref<73728xi32, #tpu.memory_space<vmem>>, vector<16xi32>,
      %parallel_loop3A = arith.constant 0 : i32
      %parallel_loop3A_145 = arith.constant 128 : i32
      %parallel_loop3A_146 = arith.constant 1 : i32
      %parallel_loop3A_147 = arith.constant 0 : i32
      %parallel_loop3A_148 = arith.constant 2064 : i32
      %parallel_loop3A_149:2 = scf.for %parallel_loop3A_241 = %parallel_loop3A to %parallel_loop3A_145 step %parallel_loop3A_146 iter_args(%parallel_loop3A_242 = %parallel_loop3A_147, %parallel_loop3A_243 = %parallel_loop3A_148) -> (i32, i32)  : i32 {
        %parallel_loop3A_244 = arith.constant 16 : i32
        %parallel_loop3A_245 = arith.muli %parallel_loop3A_241, %parallel_loop3A_244 : i32
        %parallel_loop3A_246 = arith.index_cast %parallel_loop3A_245 : i32 to index
        %parallel_loop3A_247 = tpu.vector_load %arg4[%parallel_loop3A_246] {strides = array<i32>} : memref<2048xf32, #tpu.memory_space<vmem>>, vector<16xf32>,
        %parallel_loop3A_248 = arith.index_cast %parallel_loop3A_245 : i32 to index
        %parallel_loop3A_249 = tpu.vector_load %arg5[%parallel_loop3A_248] {strides = array<i32>} : memref<2048xf32, #tpu.memory_space<vmem>>, vector<16xf32>,
        %parallel_loop3A_250 = arith.index_cast %parallel_loop3A_245 : i32 to index
        %parallel_loop3A_251 = tpu.vector_load %arg6[%parallel_loop3A_250] {strides = array<i32>} : memref<2048xf32, #tpu.memory_space<vmem>>, vector<16xf32>,
        %parallel_loop3A_252 = vector.broadcast %parallel_loop3A_245 : i32 to vector<16xi32>
        %parallel_loop3A_253 = arith.addi %parallel_loop3A_252, %iota3A : vector<16xi32>
        %parallel_loop3A_254 = arith.subf %parallel_loop3A_247, %gather3A : vector<16xf32>
        %parallel_loop3A_255 = arith.subf %parallel_loop3A_249, %gather3A_54 : vector<16xf32>
        %parallel_loop3A_256 = arith.subf %parallel_loop3A_251, %gather3A_55 : vector<16xf32>
        %parallel_loop3A_257 = arith.mulf %parallel_loop3A_254, %parallel_loop3A_254 : vector<16xf32>
        %parallel_loop3A_258 = arith.mulf %parallel_loop3A_255, %parallel_loop3A_255 : vector<16xf32>
        %parallel_loop3A_259 = arith.addf %parallel_loop3A_257, %parallel_loop3A_258 : vector<16xf32>
        %parallel_loop3A_260 = arith.mulf %parallel_loop3A_256, %parallel_loop3A_256 : vector<16xf32>
        %parallel_loop3A_261 = arith.addf %parallel_loop3A_259, %parallel_loop3A_260 : vector<16xf32>
        %parallel_loop3A_262 = arith.constant 9.000000e-02 : f32
        %parallel_loop3A_263 = vector.broadcast %parallel_loop3A_262 : f32 to vector<16xf32>
        %parallel_loop3A_264 = arith.cmpf ole, %parallel_loop3A_261, %parallel_loop3A_263 : vector<16xf32>
        %parallel_loop3A_265 = arith.index_cast %parallel_loop3A_242 : i32 to index
        %parallel_loop3A_266 = tpu.vector_load %arg8[%parallel_loop3A_265] masked %parallel_loop3A_264 {strides = array<i32>} : memref<4128xi32, #tpu.memory_space<vmem>>, vector<16xi32>, vector<16xi1>
        tpu.vector_store %arg8[%parallel_loop3A_265], %parallel_loop3A_253 masked %parallel_loop3A_264 {strides = array<i32>} : memref<4128xi32, #tpu.memory_space<vmem>>, vector<16xi32>, vector<16xi1>
        %parallel_loop3A_267 = tpu.all_reduce %parallel_loop3A_264 {dim = 0 : i64, kind = #tpu.reduction_kind<sum>} : vector<16xi1> -> vector<16xi32>
        %parallel_loop3A_268 = vector.extract_strided_slice %parallel_loop3A_267 {offsets = [0], sizes = [1], strides = [1]} : vector<16xi32> to vector<1xi32>
        %parallel_loop3A_269 = vector.extract %parallel_loop3A_268[0] : i32 from vector<1xi32>
        %parallel_loop3A_270 = arith.addi %parallel_loop3A_242, %parallel_loop3A_269 : i32
        %parallel_loop3A_271 = arith.subf %parallel_loop3A_247, %gather3A_100 : vector<16xf32>
        %parallel_loop3A_272 = arith.subf %parallel_loop3A_249, %gather3A_101 : vector<16xf32>
        %parallel_loop3A_273 = arith.subf %parallel_loop3A_251, %gather3A_102 : vector<16xf32>
        %parallel_loop3A_274 = arith.mulf %parallel_loop3A_271, %parallel_loop3A_271 : vector<16xf32>
        %parallel_loop3A_275 = arith.mulf %parallel_loop3A_272, %parallel_loop3A_272 : vector<16xf32>
        %parallel_loop3A_276 = arith.addf %parallel_loop3A_274, %parallel_loop3A_275 : vector<16xf32>
        %parallel_loop3A_277 = arith.mulf %parallel_loop3A_273, %parallel_loop3A_273 : vector<16xf32>
        %parallel_loop3A_278 = arith.addf %parallel_loop3A_276, %parallel_loop3A_277 : vector<16xf32>
        %parallel_loop3A_279 = arith.constant 9.000000e-02 : f32
        %parallel_loop3A_280 = vector.broadcast %parallel_loop3A_279 : f32 to vector<16xf32>
        %parallel_loop3A_281 = arith.cmpf ole, %parallel_loop3A_278, %parallel_loop3A_280 : vector<16xf32>
        %parallel_loop3A_282 = arith.index_cast %parallel_loop3A_243 : i32 to index
        %parallel_loop3A_283 = tpu.vector_load %arg8[%parallel_loop3A_282] masked %parallel_loop3A_281 {strides = array<i32>} : memref<4128xi32, #tpu.memory_space<vmem>>, vector<16xi32>, vector<16xi1>
        tpu.vector_store %arg8[%parallel_loop3A_282], %parallel_loop3A_253 masked %parallel_loop3A_281 {strides = array<i32>} : memref<4128xi32, #tpu.memory_space<vmem>>, vector<16xi32>, vector<16xi1>
        %parallel_loop3A_284 = tpu.all_reduce %parallel_loop3A_281 {dim = 0 : i64, kind = #tpu.reduction_kind<sum>} : vector<16xi1> -> vector<16xi32>
        %parallel_loop3A_285 = vector.extract_strided_slice %parallel_loop3A_284 {offsets = [0], sizes = [1], strides = [1]} : vector<16xi32> to vector<1xi32>
        %parallel_loop3A_286 = vector.extract %parallel_loop3A_285[0] : i32 from vector<1xi32>
        %parallel_loop3A_287 = arith.addi %parallel_loop3A_243, %parallel_loop3A_286 : i32
        scf.yield %parallel_loop3A_270, %parallel_loop3A_287 : i32, i32
      } {sc.loop_unroll_factor = 8 : i64, sc.parallel_access}
      %sub3A_150 = arith.constant 0 : i32
      %sub3A_151 = arith.subi %parallel_loop3A_149#0, %sub3A_150 : i32
      %broadcast_in_dim3A_152 = vector.broadcast %parallel_loop3A_149#0 : i32 to vector<16xi32>
      %mul3A_153 = arith.constant 2 : i32
      %mul3A_154 = arith.muli %scan3A_47, %mul3A_153 : i32
      %add3A_155 = arith.constant 0 : i32
      %add3A_156 = arith.addi %mul3A_154, %add3A_155 : i32
      %mul3A_157 = arith.constant 144 : i32
      %mul3A_158 = arith.muli %add3A_156, %mul3A_157 : i32
      %add3A_159 = arith.constant 15 : i32
      %add3A_160 = arith.addi %sub3A_151, %add3A_159 : i32
      %jit3A_161 = arith.constant 16 : i32
      %div3A_162 = arith.divsi %add3A_160, %jit3A_161 : i32
      %sign3A_163 = arith.constant 0 : i32
      %sign3A_164 = arith.cmpi sgt, %add3A_160, %sign3A_163 : i32
      %sign3A_165 = arith.extui %sign3A_164 : i1 to i32
      %sign3A_166 = arith.constant 0 : i32
      %sign3A_167 = arith.cmpi slt, %add3A_160, %sign3A_166 : i32
      %sign3A_168 = arith.extui %sign3A_167 : i1 to i32
      %sign3A_169 = arith.subi %sign3A_165, %sign3A_168 : i32
      %sign3A_170 = arith.constant 0 : i32
      %sign3A_171 = arith.cmpi sgt, %jit3A_161, %sign3A_170 : i32
      %sign3A_172 = arith.extui %sign3A_171 : i1 to i32
      %sign3A_173 = arith.constant 0 : i32
      %sign3A_174 = arith.cmpi slt, %jit3A_161, %sign3A_173 : i32
      %sign3A_175 = arith.extui %sign3A_174 : i1 to i32
      %sign3A_176 = arith.subi %sign3A_172, %sign3A_175 : i32
      %ne3A_177 = arith.cmpi ne, %sign3A_169, %sign3A_176 : i32
      %rem3A_178 = arith.remsi %add3A_160, %jit3A_161 : i32
      %ne3A_179 = arith.constant 0 : i32
      %ne3A_180 = arith.cmpi ne, %rem3A_178, %ne3A_179 : i32
      %and3A_181 = arith.andi %ne3A_177, %ne3A_180 : i1
      %sub3A_182 = arith.constant 1 : i32
      %sub3A_183 = arith.subi %div3A_162, %sub3A_182 : i32
      %select_n3A_184 = arith.select %and3A_181, %sub3A_183, %div3A_162 : i32
      %while3A = arith.constant 0 : i32
      %while3A_185 = arith.subi %select_n3A_184, %while3A : i32
      %while3A_186 = arith.addi %while3A, %while3A_185 : i32
      %while3A_187 = arith.constant 1 : i32
      %while3A_188 = arith.divsi %while3A_185, %while3A_187 : i32
      %while3A_189 = arith.muli %while3A_188, %while3A_187 : i32
      %while3A_190 = arith.addi %while3A, %while3A_189 : i32
      %while3A_191 = arith.constant 1 : i32
      %while3A_192:8 = scf.for %while3A_241 = %while3A to %while3A_190 step %while3A_191 iter_args(%while3A_242 = %broadcast_in_dim3A_39, %while3A_243 = %broadcast_in_dim3A_39, %while3A_244 = %broadcast_in_dim3A_39, %while3A_245 = %broadcast_in_dim3A_39, %while3A_246 = %broadcast_in_dim3A_39, %while3A_247 = %broadcast_in_dim3A_39, %while3A_248 = %broadcast_in_dim3A_39, %while3A_249 = %broadcast_in_dim3A_39) -> (vector<16xi32>, vector<16xi32>, vector<16xi32>, vector<16xi32>, vector<16xi32>, vector<16xi32>, vector<16xi32>, vector<16xi32>)  : i32 {
        %mul3A_250 = arith.constant 16 : i32
        %mul3A_251 = arith.muli %while3A_241, %mul3A_250 : i32
        %add3A_252 = arith.constant 0 : i32
        %add3A_253 = arith.addi %add3A_252, %mul3A_251 : i32
        %get3A = arith.index_cast %add3A_253 : i32 to index
        %get3A_254 = tpu.vector_load %arg8[%get3A] {strides = array<i32>} : memref<4128xi32, #tpu.memory_space<vmem>>, vector<16xi32>,
        %add3A_255 = vector.broadcast %add3A_253 : i32 to vector<16xi32>
        %add3A_256 = arith.addi %add3A_255, %iota3A : vector<16xi32>
        %lt3A_257 = arith.cmpi slt, %add3A_256, %broadcast_in_dim3A_152 : vector<16xi32>
        %ne3A_258 = arith.cmpi ne, %get3A_254, %broadcast_in_dim3A_53 : vector<16xi32>
        %and3A_259 = arith.andi %lt3A_257, %ne3A_258 : vector<16xi1>
        %gather3A_260 = tpu.vector_load_idx %arg4[%get3A_254] masked %and3A_259 : memref<2048xf32, #tpu.memory_space<vmem>>[vector<16xi32>], vector<16xf32>, vector<16xi1>
        %gather3A_261 = tpu.vector_load_idx %arg5[%get3A_254] masked %and3A_259 : memref<2048xf32, #tpu.memory_space<vmem>>[vector<16xi32>], vector<16xf32>, vector<16xi1>
        %gather3A_262 = tpu.vector_load_idx %arg6[%get3A_254] masked %and3A_259 : memref<2048xf32, #tpu.memory_space<vmem>>[vector<16xi32>], vector<16xf32>, vector<16xi1>
        %gt3A = arith.cmpf ogt, %gather3A_260, %gather3A : vector<16xf32>
        %convert_element_type3A = arith.extui %gt3A : vector<16xi1> to vector<16xi32>
        %mul3A_263 = arith.constant 4 : i32
        %mul3A_264 = vector.broadcast %mul3A_263 : i32 to vector<16xi32>
        %mul3A_265 = arith.muli %convert_element_type3A, %mul3A_264 : vector<16xi32>
        %gt3A_266 = arith.cmpf ogt, %gather3A_261, %gather3A_54 : vector<16xf32>
        %convert_element_type3A_267 = arith.extui %gt3A_266 : vector<16xi1> to vector<16xi32>
        %mul3A_268 = arith.constant 2 : i32
        %mul3A_269 = vector.broadcast %mul3A_268 : i32 to vector<16xi32>
        %mul3A_270 = arith.muli %convert_element_type3A_267, %mul3A_269 : vector<16xi32>
        %add3A_271 = arith.addi %mul3A_265, %mul3A_270 : vector<16xi32>
        %gt3A_272 = arith.cmpf ogt, %gather3A_262, %gather3A_55 : vector<16xf32>
        %convert_element_type3A_273 = arith.extui %gt3A_272 : vector<16xi1> to vector<16xi32>
        %add3A_274 = arith.addi %add3A_271, %convert_element_type3A_273 : vector<16xi32>
        %eq3A_275 = arith.constant 0 : i32
        %eq3A_276 = vector.broadcast %eq3A_275 : i32 to vector<16xi32>
        %eq3A_277 = arith.cmpi eq, %add3A_274, %eq3A_276 : vector<16xi32>
        %and3A_278 = arith.andi %and3A_259, %eq3A_277 : vector<16xi1>
        %convert_element_type3A_279 = arith.extui %and3A_278 : vector<16xi1> to vector<16xi32>
        %cumsum3A = arith.constant true
        %cumsum3A_280 = vector.broadcast %cumsum3A : i1 to vector<16xi1>
        %cumsum3A_281 = tpu.scan <sum>, %convert_element_type3A_279 masked %cumsum3A_280 : vector<16xi32>, vector<16xi1> -> vector<16xi32>
        %sub3A_282 = arith.constant 1 : i32
        %sub3A_283 = vector.broadcast %sub3A_282 : i32 to vector<16xi32>
        %sub3A_284 = arith.subi %cumsum3A_281, %sub3A_283 : vector<16xi32>
        %add3A_285 = arith.addi %while3A_242, %sub3A_284 : vector<16xi32>
        %lt3A_286 = arith.constant 16 : i32
        %lt3A_287 = vector.broadcast %lt3A_286 : i32 to vector<16xi32>
        %lt3A_288 = arith.cmpi slt, %add3A_285, %lt3A_287 : vector<16xi32>
        %and3A_289 = arith.andi %and3A_278, %lt3A_288 : vector<16xi1>
        %add3A_290 = arith.constant 0 : i32
        %add3A_291 = arith.addi %mul3A_158, %add3A_290 : i32
        %jit3A_292 = arith.constant 0 : i32
        %broadcast_in_dim3A_293 = vector.broadcast %jit3A_292 : i32 to vector<16xi32>
        %select_n3A_294 = arith.select %and3A_289, %add3A_285, %broadcast_in_dim3A_293 : vector<16xi1>, vector<16xi32>
        %add3A_295 = vector.broadcast %add3A_291 : i32 to vector<16xi32>
        %add3A_296 = arith.addi %add3A_295, %select_n3A_294 : vector<16xi32>
        tpu.vector_store_idx %arg7[%add3A_296], %get3A_254 masked %and3A_289 : memref<73728xi32, #tpu.memory_space<vmem>>[vector<16xi32>], vector<16xi32>, vector<16xi1>
        %all_reduce_population_count3A = tpu.all_reduce %and3A_278 {dim = 0 : i64, kind = #tpu.reduction_kind<sum>} : vector<16xi1> -> vector<16xi32>
        %add3A_297 = arith.addi %while3A_242, %all_reduce_population_count3A : vector<16xi32>
        %eq3A_298 = arith.constant 1 : i32
        %eq3A_299 = vector.broadcast %eq3A_298 : i32 to vector<16xi32>
        %eq3A_300 = arith.cmpi eq, %add3A_274, %eq3A_299 : vector<16xi32>
        %and3A_301 = arith.andi %and3A_259, %eq3A_300 : vector<16xi1>
        %convert_element_type3A_302 = arith.extui %and3A_301 : vector<16xi1> to vector<16xi32>
        %cumsum3A_303 = arith.constant true
        %cumsum3A_304 = vector.broadcast %cumsum3A_303 : i1 to vector<16xi1>
        %cumsum3A_305 = tpu.scan <sum>, %convert_element_type3A_302 masked %cumsum3A_304 : vector<16xi32>, vector<16xi1> -> vector<16xi32>
        %sub3A_306 = arith.constant 1 : i32
        %sub3A_307 = vector.broadcast %sub3A_306 : i32 to vector<16xi32>
        %sub3A_308 = arith.subi %cumsum3A_305, %sub3A_307 : vector<16xi32>
        %add3A_309 = arith.addi %while3A_243, %sub3A_308 : vector<16xi32>
        %lt3A_310 = arith.constant 16 : i32
        %lt3A_311 = vector.broadcast %lt3A_310 : i32 to vector<16xi32>
        %lt3A_312 = arith.cmpi slt, %add3A_309, %lt3A_311 : vector<16xi32>
        %and3A_313 = arith.andi %and3A_301, %lt3A_312 : vector<16xi1>
        %add3A_314 = arith.constant 16 : i32
        %add3A_315 = arith.addi %mul3A_158, %add3A_314 : i32
        %jit3A_316 = arith.constant 0 : i32
        %broadcast_in_dim3A_317 = vector.broadcast %jit3A_316 : i32 to vector<16xi32>
        %select_n3A_318 = arith.select %and3A_313, %add3A_309, %broadcast_in_dim3A_317 : vector<16xi1>, vector<16xi32>
        %add3A_319 = vector.broadcast %add3A_315 : i32 to vector<16xi32>
        %add3A_320 = arith.addi %add3A_319, %select_n3A_318 : vector<16xi32>
        tpu.vector_store_idx %arg7[%add3A_320], %get3A_254 masked %and3A_313 : memref<73728xi32, #tpu.memory_space<vmem>>[vector<16xi32>], vector<16xi32>, vector<16xi1>
        %all_reduce_population_count3A_321 = tpu.all_reduce %and3A_301 {dim = 0 : i64, kind = #tpu.reduction_kind<sum>} : vector<16xi1> -> vector<16xi32>
        %add3A_322 = arith.addi %while3A_243, %all_reduce_population_count3A_321 : vector<16xi32>
        %eq3A_323 = arith.constant 2 : i32
        %eq3A_324 = vector.broadcast %eq3A_323 : i32 to vector<16xi32>
        %eq3A_325 = arith.cmpi eq, %add3A_274, %eq3A_324 : vector<16xi32>
        %and3A_326 = arith.andi %and3A_259, %eq3A_325 : vector<16xi1>
        %convert_element_type3A_327 = arith.extui %and3A_326 : vector<16xi1> to vector<16xi32>
        %cumsum3A_328 = arith.constant true
        %cumsum3A_329 = vector.broadcast %cumsum3A_328 : i1 to vector<16xi1>
        %cumsum3A_330 = tpu.scan <sum>, %convert_element_type3A_327 masked %cumsum3A_329 : vector<16xi32>, vector<16xi1> -> vector<16xi32>
        %sub3A_331 = arith.constant 1 : i32
        %sub3A_332 = vector.broadcast %sub3A_331 : i32 to vector<16xi32>
        %sub3A_333 = arith.subi %cumsum3A_330, %sub3A_332 : vector<16xi32>
        %add3A_334 = arith.addi %while3A_244, %sub3A_333 : vector<16xi32>
        %lt3A_335 = arith.constant 16 : i32
        %lt3A_336 = vector.broadcast %lt3A_335 : i32 to vector<16xi32>
        %lt3A_337 = arith.cmpi slt, %add3A_334, %lt3A_336 : vector<16xi32>
        %and3A_338 = arith.andi %and3A_326, %lt3A_337 : vector<16xi1>
        %add3A_339 = arith.constant 32 : i32
        %add3A_340 = arith.addi %mul3A_158, %add3A_339 : i32
        %jit3A_341 = arith.constant 0 : i32
        %broadcast_in_dim3A_342 = vector.broadcast %jit3A_341 : i32 to vector<16xi32>
        %select_n3A_343 = arith.select %and3A_338, %add3A_334, %broadcast_in_dim3A_342 : vector<16xi1>, vector<16xi32>
        %add3A_344 = vector.broadcast %add3A_340 : i32 to vector<16xi32>
        %add3A_345 = arith.addi %add3A_344, %select_n3A_343 : vector<16xi32>
        tpu.vector_store_idx %arg7[%add3A_345], %get3A_254 masked %and3A_338 : memref<73728xi32, #tpu.memory_space<vmem>>[vector<16xi32>], vector<16xi32>, vector<16xi1>
        %all_reduce_population_count3A_346 = tpu.all_reduce %and3A_326 {dim = 0 : i64, kind = #tpu.reduction_kind<sum>} : vector<16xi1> -> vector<16xi32>
        %add3A_347 = arith.addi %while3A_244, %all_reduce_population_count3A_346 : vector<16xi32>
        %eq3A_348 = arith.constant 3 : i32
        %eq3A_349 = vector.broadcast %eq3A_348 : i32 to vector<16xi32>
        %eq3A_350 = arith.cmpi eq, %add3A_274, %eq3A_349 : vector<16xi32>
        %and3A_351 = arith.andi %and3A_259, %eq3A_350 : vector<16xi1>
        %convert_element_type3A_352 = arith.extui %and3A_351 : vector<16xi1> to vector<16xi32>
        %cumsum3A_353 = arith.constant true
        %cumsum3A_354 = vector.broadcast %cumsum3A_353 : i1 to vector<16xi1>
        %cumsum3A_355 = tpu.scan <sum>, %convert_element_type3A_352 masked %cumsum3A_354 : vector<16xi32>, vector<16xi1> -> vector<16xi32>
        %sub3A_356 = arith.constant 1 : i32
        %sub3A_357 = vector.broadcast %sub3A_356 : i32 to vector<16xi32>
        %sub3A_358 = arith.subi %cumsum3A_355, %sub3A_357 : vector<16xi32>
        %add3A_359 = arith.addi %while3A_245, %sub3A_358 : vector<16xi32>
        %lt3A_360 = arith.constant 16 : i32
        %lt3A_361 = vector.broadcast %lt3A_360 : i32 to vector<16xi32>
        %lt3A_362 = arith.cmpi slt, %add3A_359, %lt3A_361 : vector<16xi32>
        %and3A_363 = arith.andi %and3A_351, %lt3A_362 : vector<16xi1>
        %add3A_364 = arith.constant 48 : i32
        %add3A_365 = arith.addi %mul3A_158, %add3A_364 : i32
        %jit3A_366 = arith.constant 0 : i32
        %broadcast_in_dim3A_367 = vector.broadcast %jit3A_366 : i32 to vector<16xi32>
        %select_n3A_368 = arith.select %and3A_363, %add3A_359, %broadcast_in_dim3A_367 : vector<16xi1>, vector<16xi32>
        %add3A_369 = vector.broadcast %add3A_365 : i32 to vector<16xi32>
        %add3A_370 = arith.addi %add3A_369, %select_n3A_368 : vector<16xi32>
        tpu.vector_store_idx %arg7[%add3A_370], %get3A_254 masked %and3A_363 : memref<73728xi32, #tpu.memory_space<vmem>>[vector<16xi32>], vector<16xi32>, vector<16xi1>
        %all_reduce_population_count3A_371 = tpu.all_reduce %and3A_351 {dim = 0 : i64, kind = #tpu.reduction_kind<sum>} : vector<16xi1> -> vector<16xi32>
        %add3A_372 = arith.addi %while3A_245, %all_reduce_population_count3A_371 : vector<16xi32>
        %eq3A_373 = arith.constant 4 : i32
        %eq3A_374 = vector.broadcast %eq3A_373 : i32 to vector<16xi32>
        %eq3A_375 = arith.cmpi eq, %add3A_274, %eq3A_374 : vector<16xi32>
        %and3A_376 = arith.andi %and3A_259, %eq3A_375 : vector<16xi1>
        %convert_element_type3A_377 = arith.extui %and3A_376 : vector<16xi1> to vector<16xi32>
        %cumsum3A_378 = arith.constant true
        %cumsum3A_379 = vector.broadcast %cumsum3A_378 : i1 to vector<16xi1>
        %cumsum3A_380 = tpu.scan <sum>, %convert_element_type3A_377 masked %cumsum3A_379 : vector<16xi32>, vector<16xi1> -> vector<16xi32>
        %sub3A_381 = arith.constant 1 : i32
        %sub3A_382 = vector.broadcast %sub3A_381 : i32 to vector<16xi32>
        %sub3A_383 = arith.subi %cumsum3A_380, %sub3A_382 : vector<16xi32>
        %add3A_384 = arith.addi %while3A_246, %sub3A_383 : vector<16xi32>
        %lt3A_385 = arith.constant 16 : i32
        %lt3A_386 = vector.broadcast %lt3A_385 : i32 to vector<16xi32>
        %lt3A_387 = arith.cmpi slt, %add3A_384, %lt3A_386 : vector<16xi32>
        %and3A_388 = arith.andi %and3A_376, %lt3A_387 : vector<16xi1>
        %add3A_389 = arith.constant 64 : i32
        %add3A_390 = arith.addi %mul3A_158, %add3A_389 : i32
        %jit3A_391 = arith.constant 0 : i32
        %broadcast_in_dim3A_392 = vector.broadcast %jit3A_391 : i32 to vector<16xi32>
        %select_n3A_393 = arith.select %and3A_388, %add3A_384, %broadcast_in_dim3A_392 : vector<16xi1>, vector<16xi32>
        %add3A_394 = vector.broadcast %add3A_390 : i32 to vector<16xi32>
        %add3A_395 = arith.addi %add3A_394, %select_n3A_393 : vector<16xi32>
        tpu.vector_store_idx %arg7[%add3A_395], %get3A_254 masked %and3A_388 : memref<73728xi32, #tpu.memory_space<vmem>>[vector<16xi32>], vector<16xi32>, vector<16xi1>
        %all_reduce_population_count3A_396 = tpu.all_reduce %and3A_376 {dim = 0 : i64, kind = #tpu.reduction_kind<sum>} : vector<16xi1> -> vector<16xi32>
        %add3A_397 = arith.addi %while3A_246, %all_reduce_population_count3A_396 : vector<16xi32>
        %eq3A_398 = arith.constant 5 : i32
        %eq3A_399 = vector.broadcast %eq3A_398 : i32 to vector<16xi32>
        %eq3A_400 = arith.cmpi eq, %add3A_274, %eq3A_399 : vector<16xi32>
        %and3A_401 = arith.andi %and3A_259, %eq3A_400 : vector<16xi1>
        %convert_element_type3A_402 = arith.extui %and3A_401 : vector<16xi1> to vector<16xi32>
        %cumsum3A_403 = arith.constant true
        %cumsum3A_404 = vector.broadcast %cumsum3A_403 : i1 to vector<16xi1>
        %cumsum3A_405 = tpu.scan <sum>, %convert_element_type3A_402 masked %cumsum3A_404 : vector<16xi32>, vector<16xi1> -> vector<16xi32>
        %sub3A_406 = arith.constant 1 : i32
        %sub3A_407 = vector.broadcast %sub3A_406 : i32 to vector<16xi32>
        %sub3A_408 = arith.subi %cumsum3A_405, %sub3A_407 : vector<16xi32>
        %add3A_409 = arith.addi %while3A_247, %sub3A_408 : vector<16xi32>
        %lt3A_410 = arith.constant 16 : i32
        %lt3A_411 = vector.broadcast %lt3A_410 : i32 to vector<16xi32>
        %lt3A_412 = arith.cmpi slt, %add3A_409, %lt3A_411 : vector<16xi32>
        %and3A_413 = arith.andi %and3A_401, %lt3A_412 : vector<16xi1>
        %add3A_414 = arith.constant 80 : i32
        %add3A_415 = arith.addi %mul3A_158, %add3A_414 : i32
        %jit3A_416 = arith.constant 0 : i32
        %broadcast_in_dim3A_417 = vector.broadcast %jit3A_416 : i32 to vector<16xi32>
        %select_n3A_418 = arith.select %and3A_413, %add3A_409, %broadcast_in_dim3A_417 : vector<16xi1>, vector<16xi32>
        %add3A_419 = vector.broadcast %add3A_415 : i32 to vector<16xi32>
        %add3A_420 = arith.addi %add3A_419, %select_n3A_418 : vector<16xi32>
        tpu.vector_store_idx %arg7[%add3A_420], %get3A_254 masked %and3A_413 : memref<73728xi32, #tpu.memory_space<vmem>>[vector<16xi32>], vector<16xi32>, vector<16xi1>
        %all_reduce_population_count3A_421 = tpu.all_reduce %and3A_401 {dim = 0 : i64, kind = #tpu.reduction_kind<sum>} : vector<16xi1> -> vector<16xi32>
        %add3A_422 = arith.addi %while3A_247, %all_reduce_population_count3A_421 : vector<16xi32>
        %eq3A_423 = arith.constant 6 : i32
        %eq3A_424 = vector.broadcast %eq3A_423 : i32 to vector<16xi32>
        %eq3A_425 = arith.cmpi eq, %add3A_274, %eq3A_424 : vector<16xi32>
        %and3A_426 = arith.andi %and3A_259, %eq3A_425 : vector<16xi1>
        %convert_element_type3A_427 = arith.extui %and3A_426 : vector<16xi1> to vector<16xi32>
        %cumsum3A_428 = arith.constant true
        %cumsum3A_429 = vector.broadcast %cumsum3A_428 : i1 to vector<16xi1>
        %cumsum3A_430 = tpu.scan <sum>, %convert_element_type3A_427 masked %cumsum3A_429 : vector<16xi32>, vector<16xi1> -> vector<16xi32>
        %sub3A_431 = arith.constant 1 : i32
        %sub3A_432 = vector.broadcast %sub3A_431 : i32 to vector<16xi32>
        %sub3A_433 = arith.subi %cumsum3A_430, %sub3A_432 : vector<16xi32>
        %add3A_434 = arith.addi %while3A_248, %sub3A_433 : vector<16xi32>
        %lt3A_435 = arith.constant 16 : i32
        %lt3A_436 = vector.broadcast %lt3A_435 : i32 to vector<16xi32>
        %lt3A_437 = arith.cmpi slt, %add3A_434, %lt3A_436 : vector<16xi32>
        %and3A_438 = arith.andi %and3A_426, %lt3A_437 : vector<16xi1>
        %add3A_439 = arith.constant 96 : i32
        %add3A_440 = arith.addi %mul3A_158, %add3A_439 : i32
        %jit3A_441 = arith.constant 0 : i32
        %broadcast_in_dim3A_442 = vector.broadcast %jit3A_441 : i32 to vector<16xi32>
        %select_n3A_443 = arith.select %and3A_438, %add3A_434, %broadcast_in_dim3A_442 : vector<16xi1>, vector<16xi32>
        %add3A_444 = vector.broadcast %add3A_440 : i32 to vector<16xi32>
        %add3A_445 = arith.addi %add3A_444, %select_n3A_443 : vector<16xi32>
        tpu.vector_store_idx %arg7[%add3A_445], %get3A_254 masked %and3A_438 : memref<73728xi32, #tpu.memory_space<vmem>>[vector<16xi32>], vector<16xi32>, vector<16xi1>
        %all_reduce_population_count3A_446 = tpu.all_reduce %and3A_426 {dim = 0 : i64, kind = #tpu.reduction_kind<sum>} : vector<16xi1> -> vector<16xi32>
        %add3A_447 = arith.addi %while3A_248, %all_reduce_population_count3A_446 : vector<16xi32>
        %eq3A_448 = arith.constant 7 : i32
        %eq3A_449 = vector.broadcast %eq3A_448 : i32 to vector<16xi32>
        %eq3A_450 = arith.cmpi eq, %add3A_274, %eq3A_449 : vector<16xi32>
        %and3A_451 = arith.andi %and3A_259, %eq3A_450 : vector<16xi1>
        %convert_element_type3A_452 = arith.extui %and3A_451 : vector<16xi1> to vector<16xi32>
        %cumsum3A_453 = arith.constant true
        %cumsum3A_454 = vector.broadcast %cumsum3A_453 : i1 to vector<16xi1>
        %cumsum3A_455 = tpu.scan <sum>, %convert_element_type3A_452 masked %cumsum3A_454 : vector<16xi32>, vector<16xi1> -> vector<16xi32>
        %sub3A_456 = arith.constant 1 : i32
        %sub3A_457 = vector.broadcast %sub3A_456 : i32 to vector<16xi32>
        %sub3A_458 = arith.subi %cumsum3A_455, %sub3A_457 : vector<16xi32>
        %add3A_459 = arith.addi %while3A_249, %sub3A_458 : vector<16xi32>
        %lt3A_460 = arith.constant 16 : i32
        %lt3A_461 = vector.broadcast %lt3A_460 : i32 to vector<16xi32>
        %lt3A_462 = arith.cmpi slt, %add3A_459, %lt3A_461 : vector<16xi32>
        %and3A_463 = arith.andi %and3A_451, %lt3A_462 : vector<16xi1>
        %add3A_464 = arith.constant 112 : i32
        %add3A_465 = arith.addi %mul3A_158, %add3A_464 : i32
        %jit3A_466 = arith.constant 0 : i32
        %broadcast_in_dim3A_467 = vector.broadcast %jit3A_466 : i32 to vector<16xi32>
        %select_n3A_468 = arith.select %and3A_463, %add3A_459, %broadcast_in_dim3A_467 : vector<16xi1>, vector<16xi32>
        %add3A_469 = vector.broadcast %add3A_465 : i32 to vector<16xi32>
        %add3A_470 = arith.addi %add3A_469, %select_n3A_468 : vector<16xi32>
        tpu.vector_store_idx %arg7[%add3A_470], %get3A_254 masked %and3A_463 : memref<73728xi32, #tpu.memory_space<vmem>>[vector<16xi32>], vector<16xi32>, vector<16xi1>
        %all_reduce_population_count3A_471 = tpu.all_reduce %and3A_451 {dim = 0 : i64, kind = #tpu.reduction_kind<sum>} : vector<16xi1> -> vector<16xi32>
        %add3A_472 = arith.addi %while3A_249, %all_reduce_population_count3A_471 : vector<16xi32>
        scf.yield %add3A_297, %add3A_322, %add3A_347, %add3A_372, %add3A_397, %add3A_422, %add3A_447, %add3A_472 : vector<16xi32>, vector<16xi32>, vector<16xi32>, vector<16xi32>, vector<16xi32>, vector<16xi32>, vector<16xi32>, vector<16xi32>
      }
      %while3A_193 = arith.constant 1 : i32
      %while3A_194:8 = scf.for %while3A_241 = %while3A_190 to %while3A_186 step %while3A_193 iter_args(%while3A_242 = %while3A_192#0, %while3A_243 = %while3A_192#1, %while3A_244 = %while3A_192#2, %while3A_245 = %while3A_192#3, %while3A_246 = %while3A_192#4, %while3A_247 = %while3A_192#5, %while3A_248 = %while3A_192#6, %while3A_249 = %while3A_192#7) -> (vector<16xi32>, vector<16xi32>, vector<16xi32>, vector<16xi32>, vector<16xi32>, vector<16xi32>, vector<16xi32>, vector<16xi32>)  : i32 {
        %mul3A_250 = arith.constant 16 : i32
        %mul3A_251 = arith.muli %while3A_241, %mul3A_250 : i32
        %add3A_252 = arith.constant 0 : i32
        %add3A_253 = arith.addi %add3A_252, %mul3A_251 : i32
        %get3A = arith.index_cast %add3A_253 : i32 to index
        %get3A_254 = tpu.vector_load %arg8[%get3A] {strides = array<i32>} : memref<4128xi32, #tpu.memory_space<vmem>>, vector<16xi32>,
        %add3A_255 = vector.broadcast %add3A_253 : i32 to vector<16xi32>
        %add3A_256 = arith.addi %add3A_255, %iota3A : vector<16xi32>
        %lt3A_257 = arith.cmpi slt, %add3A_256, %broadcast_in_dim3A_152 : vector<16xi32>
        %ne3A_258 = arith.cmpi ne, %get3A_254, %broadcast_in_dim3A_53 : vector<16xi32>
        %and3A_259 = arith.andi %lt3A_257, %ne3A_258 : vector<16xi1>
        %gather3A_260 = tpu.vector_load_idx %arg4[%get3A_254] masked %and3A_259 : memref<2048xf32, #tpu.memory_space<vmem>>[vector<16xi32>], vector<16xf32>, vector<16xi1>
        %gather3A_261 = tpu.vector_load_idx %arg5[%get3A_254] masked %and3A_259 : memref<2048xf32, #tpu.memory_space<vmem>>[vector<16xi32>], vector<16xf32>, vector<16xi1>
        %gather3A_262 = tpu.vector_load_idx %arg6[%get3A_254] masked %and3A_259 : memref<2048xf32, #tpu.memory_space<vmem>>[vector<16xi32>], vector<16xf32>, vector<16xi1>
        %gt3A = arith.cmpf ogt, %gather3A_260, %gather3A : vector<16xf32>
        %convert_element_type3A = arith.extui %gt3A : vector<16xi1> to vector<16xi32>
        %mul3A_263 = arith.constant 4 : i32
        %mul3A_264 = vector.broadcast %mul3A_263 : i32 to vector<16xi32>
        %mul3A_265 = arith.muli %convert_element_type3A, %mul3A_264 : vector<16xi32>
        %gt3A_266 = arith.cmpf ogt, %gather3A_261, %gather3A_54 : vector<16xf32>
        %convert_element_type3A_267 = arith.extui %gt3A_266 : vector<16xi1> to vector<16xi32>
        %mul3A_268 = arith.constant 2 : i32
        %mul3A_269 = vector.broadcast %mul3A_268 : i32 to vector<16xi32>
        %mul3A_270 = arith.muli %convert_element_type3A_267, %mul3A_269 : vector<16xi32>
        %add3A_271 = arith.addi %mul3A_265, %mul3A_270 : vector<16xi32>
        %gt3A_272 = arith.cmpf ogt, %gather3A_262, %gather3A_55 : vector<16xf32>
        %convert_element_type3A_273 = arith.extui %gt3A_272 : vector<16xi1> to vector<16xi32>
        %add3A_274 = arith.addi %add3A_271, %convert_element_type3A_273 : vector<16xi32>
        %eq3A_275 = arith.constant 0 : i32
        %eq3A_276 = vector.broadcast %eq3A_275 : i32 to vector<16xi32>
        %eq3A_277 = arith.cmpi eq, %add3A_274, %eq3A_276 : vector<16xi32>
        %and3A_278 = arith.andi %and3A_259, %eq3A_277 : vector<16xi1>
        %convert_element_type3A_279 = arith.extui %and3A_278 : vector<16xi1> to vector<16xi32>
        %cumsum3A = arith.constant true
        %cumsum3A_280 = vector.broadcast %cumsum3A : i1 to vector<16xi1>
        %cumsum3A_281 = tpu.scan <sum>, %convert_element_type3A_279 masked %cumsum3A_280 : vector<16xi32>, vector<16xi1> -> vector<16xi32>
        %sub3A_282 = arith.constant 1 : i32
        %sub3A_283 = vector.broadcast %sub3A_282 : i32 to vector<16xi32>
        %sub3A_284 = arith.subi %cumsum3A_281, %sub3A_283 : vector<16xi32>
        %add3A_285 = arith.addi %while3A_242, %sub3A_284 : vector<16xi32>
        %lt3A_286 = arith.constant 16 : i32
        %lt3A_287 = vector.broadcast %lt3A_286 : i32 to vector<16xi32>
        %lt3A_288 = arith.cmpi slt, %add3A_285, %lt3A_287 : vector<16xi32>
        %and3A_289 = arith.andi %and3A_278, %lt3A_288 : vector<16xi1>
        %add3A_290 = arith.constant 0 : i32
        %add3A_291 = arith.addi %mul3A_158, %add3A_290 : i32
        %jit3A_292 = arith.constant 0 : i32
        %broadcast_in_dim3A_293 = vector.broadcast %jit3A_292 : i32 to vector<16xi32>
        %select_n3A_294 = arith.select %and3A_289, %add3A_285, %broadcast_in_dim3A_293 : vector<16xi1>, vector<16xi32>
        %add3A_295 = vector.broadcast %add3A_291 : i32 to vector<16xi32>
        %add3A_296 = arith.addi %add3A_295, %select_n3A_294 : vector<16xi32>
        tpu.vector_store_idx %arg7[%add3A_296], %get3A_254 masked %and3A_289 : memref<73728xi32, #tpu.memory_space<vmem>>[vector<16xi32>], vector<16xi32>, vector<16xi1>
        %all_reduce_population_count3A = tpu.all_reduce %and3A_278 {dim = 0 : i64, kind = #tpu.reduction_kind<sum>} : vector<16xi1> -> vector<16xi32>
        %add3A_297 = arith.addi %while3A_242, %all_reduce_population_count3A : vector<16xi32>
        %eq3A_298 = arith.constant 1 : i32
        %eq3A_299 = vector.broadcast %eq3A_298 : i32 to vector<16xi32>
        %eq3A_300 = arith.cmpi eq, %add3A_274, %eq3A_299 : vector<16xi32>
        %and3A_301 = arith.andi %and3A_259, %eq3A_300 : vector<16xi1>
        %convert_element_type3A_302 = arith.extui %and3A_301 : vector<16xi1> to vector<16xi32>
        %cumsum3A_303 = arith.constant true
        %cumsum3A_304 = vector.broadcast %cumsum3A_303 : i1 to vector<16xi1>
        %cumsum3A_305 = tpu.scan <sum>, %convert_element_type3A_302 masked %cumsum3A_304 : vector<16xi32>, vector<16xi1> -> vector<16xi32>
        %sub3A_306 = arith.constant 1 : i32
        %sub3A_307 = vector.broadcast %sub3A_306 : i32 to vector<16xi32>
        %sub3A_308 = arith.subi %cumsum3A_305, %sub3A_307 : vector<16xi32>
        %add3A_309 = arith.addi %while3A_243, %sub3A_308 : vector<16xi32>
        %lt3A_310 = arith.constant 16 : i32
        %lt3A_311 = vector.broadcast %lt3A_310 : i32 to vector<16xi32>
        %lt3A_312 = arith.cmpi slt, %add3A_309, %lt3A_311 : vector<16xi32>
        %and3A_313 = arith.andi %and3A_301, %lt3A_312 : vector<16xi1>
        %add3A_314 = arith.constant 16 : i32
        %add3A_315 = arith.addi %mul3A_158, %add3A_314 : i32
        %jit3A_316 = arith.constant 0 : i32
        %broadcast_in_dim3A_317 = vector.broadcast %jit3A_316 : i32 to vector<16xi32>
        %select_n3A_318 = arith.select %and3A_313, %add3A_309, %broadcast_in_dim3A_317 : vector<16xi1>, vector<16xi32>
        %add3A_319 = vector.broadcast %add3A_315 : i32 to vector<16xi32>
        %add3A_320 = arith.addi %add3A_319, %select_n3A_318 : vector<16xi32>
        tpu.vector_store_idx %arg7[%add3A_320], %get3A_254 masked %and3A_313 : memref<73728xi32, #tpu.memory_space<vmem>>[vector<16xi32>], vector<16xi32>, vector<16xi1>
        %all_reduce_population_count3A_321 = tpu.all_reduce %and3A_301 {dim = 0 : i64, kind = #tpu.reduction_kind<sum>} : vector<16xi1> -> vector<16xi32>
        %add3A_322 = arith.addi %while3A_243, %all_reduce_population_count3A_321 : vector<16xi32>
        %eq3A_323 = arith.constant 2 : i32
        %eq3A_324 = vector.broadcast %eq3A_323 : i32 to vector<16xi32>
        %eq3A_325 = arith.cmpi eq, %add3A_274, %eq3A_324 : vector<16xi32>
        %and3A_326 = arith.andi %and3A_259, %eq3A_325 : vector<16xi1>
        %convert_element_type3A_327 = arith.extui %and3A_326 : vector<16xi1> to vector<16xi32>
        %cumsum3A_328 = arith.constant true
        %cumsum3A_329 = vector.broadcast %cumsum3A_328 : i1 to vector<16xi1>
        %cumsum3A_330 = tpu.scan <sum>, %convert_element_type3A_327 masked %cumsum3A_329 : vector<16xi32>, vector<16xi1> -> vector<16xi32>
        %sub3A_331 = arith.constant 1 : i32
        %sub3A_332 = vector.broadcast %sub3A_331 : i32 to vector<16xi32>
        %sub3A_333 = arith.subi %cumsum3A_330, %sub3A_332 : vector<16xi32>
        %add3A_334 = arith.addi %while3A_244, %sub3A_333 : vector<16xi32>
        %lt3A_335 = arith.constant 16 : i32
        %lt3A_336 = vector.broadcast %lt3A_335 : i32 to vector<16xi32>
        %lt3A_337 = arith.cmpi slt, %add3A_334, %lt3A_336 : vector<16xi32>
        %and3A_338 = arith.andi %and3A_326, %lt3A_337 : vector<16xi1>
        %add3A_339 = arith.constant 32 : i32
        %add3A_340 = arith.addi %mul3A_158, %add3A_339 : i32
        %jit3A_341 = arith.constant 0 : i32
        %broadcast_in_dim3A_342 = vector.broadcast %jit3A_341 : i32 to vector<16xi32>
        %select_n3A_343 = arith.select %and3A_338, %add3A_334, %broadcast_in_dim3A_342 : vector<16xi1>, vector<16xi32>
        %add3A_344 = vector.broadcast %add3A_340 : i32 to vector<16xi32>
        %add3A_345 = arith.addi %add3A_344, %select_n3A_343 : vector<16xi32>
        tpu.vector_store_idx %arg7[%add3A_345], %get3A_254 masked %and3A_338 : memref<73728xi32, #tpu.memory_space<vmem>>[vector<16xi32>], vector<16xi32>, vector<16xi1>
        %all_reduce_population_count3A_346 = tpu.all_reduce %and3A_326 {dim = 0 : i64, kind = #tpu.reduction_kind<sum>} : vector<16xi1> -> vector<16xi32>
        %add3A_347 = arith.addi %while3A_244, %all_reduce_population_count3A_346 : vector<16xi32>
        %eq3A_348 = arith.constant 3 : i32
        %eq3A_349 = vector.broadcast %eq3A_348 : i32 to vector<16xi32>
        %eq3A_350 = arith.cmpi eq, %add3A_274, %eq3A_349 : vector<16xi32>
        %and3A_351 = arith.andi %and3A_259, %eq3A_350 : vector<16xi1>
        %convert_element_type3A_352 = arith.extui %and3A_351 : vector<16xi1> to vector<16xi32>
        %cumsum3A_353 = arith.constant true
        %cumsum3A_354 = vector.broadcast %cumsum3A_353 : i1 to vector<16xi1>
        %cumsum3A_355 = tpu.scan <sum>, %convert_element_type3A_352 masked %cumsum3A_354 : vector<16xi32>, vector<16xi1> -> vector<16xi32>
        %sub3A_356 = arith.constant 1 : i32
        %sub3A_357 = vector.broadcast %sub3A_356 : i32 to vector<16xi32>
        %sub3A_358 = arith.subi %cumsum3A_355, %sub3A_357 : vector<16xi32>
        %add3A_359 = arith.addi %while3A_245, %sub3A_358 : vector<16xi32>
        %lt3A_360 = arith.constant 16 : i32
        %lt3A_361 = vector.broadcast %lt3A_360 : i32 to vector<16xi32>
        %lt3A_362 = arith.cmpi slt, %add3A_359, %lt3A_361 : vector<16xi32>
        %and3A_363 = arith.andi %and3A_351, %lt3A_362 : vector<16xi1>
        %add3A_364 = arith.constant 48 : i32
        %add3A_365 = arith.addi %mul3A_158, %add3A_364 : i32
        %jit3A_366 = arith.constant 0 : i32
        %broadcast_in_dim3A_367 = vector.broadcast %jit3A_366 : i32 to vector<16xi32>
        %select_n3A_368 = arith.select %and3A_363, %add3A_359, %broadcast_in_dim3A_367 : vector<16xi1>, vector<16xi32>
        %add3A_369 = vector.broadcast %add3A_365 : i32 to vector<16xi32>
        %add3A_370 = arith.addi %add3A_369, %select_n3A_368 : vector<16xi32>
        tpu.vector_store_idx %arg7[%add3A_370], %get3A_254 masked %and3A_363 : memref<73728xi32, #tpu.memory_space<vmem>>[vector<16xi32>], vector<16xi32>, vector<16xi1>
        %all_reduce_population_count3A_371 = tpu.all_reduce %and3A_351 {dim = 0 : i64, kind = #tpu.reduction_kind<sum>} : vector<16xi1> -> vector<16xi32>
        %add3A_372 = arith.addi %while3A_245, %all_reduce_population_count3A_371 : vector<16xi32>
        %eq3A_373 = arith.constant 4 : i32
        %eq3A_374 = vector.broadcast %eq3A_373 : i32 to vector<16xi32>
        %eq3A_375 = arith.cmpi eq, %add3A_274, %eq3A_374 : vector<16xi32>
        %and3A_376 = arith.andi %and3A_259, %eq3A_375 : vector<16xi1>
        %convert_element_type3A_377 = arith.extui %and3A_376 : vector<16xi1> to vector<16xi32>
        %cumsum3A_378 = arith.constant true
        %cumsum3A_379 = vector.broadcast %cumsum3A_378 : i1 to vector<16xi1>
        %cumsum3A_380 = tpu.scan <sum>, %convert_element_type3A_377 masked %cumsum3A_379 : vector<16xi32>, vector<16xi1> -> vector<16xi32>
        %sub3A_381 = arith.constant 1 : i32
        %sub3A_382 = vector.broadcast %sub3A_381 : i32 to vector<16xi32>
        %sub3A_383 = arith.subi %cumsum3A_380, %sub3A_382 : vector<16xi32>
        %add3A_384 = arith.addi %while3A_246, %sub3A_383 : vector<16xi32>
        %lt3A_385 = arith.constant 16 : i32
        %lt3A_386 = vector.broadcast %lt3A_385 : i32 to vector<16xi32>
        %lt3A_387 = arith.cmpi slt, %add3A_384, %lt3A_386 : vector<16xi32>
        %and3A_388 = arith.andi %and3A_376, %lt3A_387 : vector<16xi1>
        %add3A_389 = arith.constant 64 : i32
        %add3A_390 = arith.addi %mul3A_158, %add3A_389 : i32
        %jit3A_391 = arith.constant 0 : i32
        %broadcast_in_dim3A_392 = vector.broadcast %jit3A_391 : i32 to vector<16xi32>
        %select_n3A_393 = arith.select %and3A_388, %add3A_384, %broadcast_in_dim3A_392 : vector<16xi1>, vector<16xi32>
        %add3A_394 = vector.broadcast %add3A_390 : i32 to vector<16xi32>
        %add3A_395 = arith.addi %add3A_394, %select_n3A_393 : vector<16xi32>
        tpu.vector_store_idx %arg7[%add3A_395], %get3A_254 masked %and3A_388 : memref<73728xi32, #tpu.memory_space<vmem>>[vector<16xi32>], vector<16xi32>, vector<16xi1>
        %all_reduce_population_count3A_396 = tpu.all_reduce %and3A_376 {dim = 0 : i64, kind = #tpu.reduction_kind<sum>} : vector<16xi1> -> vector<16xi32>
        %add3A_397 = arith.addi %while3A_246, %all_reduce_population_count3A_396 : vector<16xi32>
        %eq3A_398 = arith.constant 5 : i32
        %eq3A_399 = vector.broadcast %eq3A_398 : i32 to vector<16xi32>
        %eq3A_400 = arith.cmpi eq, %add3A_274, %eq3A_399 : vector<16xi32>
        %and3A_401 = arith.andi %and3A_259, %eq3A_400 : vector<16xi1>
        %convert_element_type3A_402 = arith.extui %and3A_401 : vector<16xi1> to vector<16xi32>
        %cumsum3A_403 = arith.constant true
        %cumsum3A_404 = vector.broadcast %cumsum3A_403 : i1 to vector<16xi1>
        %cumsum3A_405 = tpu.scan <sum>, %convert_element_type3A_402 masked %cumsum3A_404 : vector<16xi32>, vector<16xi1> -> vector<16xi32>
        %sub3A_406 = arith.constant 1 : i32
        %sub3A_407 = vector.broadcast %sub3A_406 : i32 to vector<16xi32>
        %sub3A_408 = arith.subi %cumsum3A_405, %sub3A_407 : vector<16xi32>
        %add3A_409 = arith.addi %while3A_247, %sub3A_408 : vector<16xi32>
        %lt3A_410 = arith.constant 16 : i32
        %lt3A_411 = vector.broadcast %lt3A_410 : i32 to vector<16xi32>
        %lt3A_412 = arith.cmpi slt, %add3A_409, %lt3A_411 : vector<16xi32>
        %and3A_413 = arith.andi %and3A_401, %lt3A_412 : vector<16xi1>
        %add3A_414 = arith.constant 80 : i32
        %add3A_415 = arith.addi %mul3A_158, %add3A_414 : i32
        %jit3A_416 = arith.constant 0 : i32
        %broadcast_in_dim3A_417 = vector.broadcast %jit3A_416 : i32 to vector<16xi32>
        %select_n3A_418 = arith.select %and3A_413, %add3A_409, %broadcast_in_dim3A_417 : vector<16xi1>, vector<16xi32>
        %add3A_419 = vector.broadcast %add3A_415 : i32 to vector<16xi32>
        %add3A_420 = arith.addi %add3A_419, %select_n3A_418 : vector<16xi32>
        tpu.vector_store_idx %arg7[%add3A_420], %get3A_254 masked %and3A_413 : memref<73728xi32, #tpu.memory_space<vmem>>[vector<16xi32>], vector<16xi32>, vector<16xi1>
        %all_reduce_population_count3A_421 = tpu.all_reduce %and3A_401 {dim = 0 : i64, kind = #tpu.reduction_kind<sum>} : vector<16xi1> -> vector<16xi32>
        %add3A_422 = arith.addi %while3A_247, %all_reduce_population_count3A_421 : vector<16xi32>
        %eq3A_423 = arith.constant 6 : i32
        %eq3A_424 = vector.broadcast %eq3A_423 : i32 to vector<16xi32>
        %eq3A_425 = arith.cmpi eq, %add3A_274, %eq3A_424 : vector<16xi32>
        %and3A_426 = arith.andi %and3A_259, %eq3A_425 : vector<16xi1>
        %convert_element_type3A_427 = arith.extui %and3A_426 : vector<16xi1> to vector<16xi32>
        %cumsum3A_428 = arith.constant true
        %cumsum3A_429 = vector.broadcast %cumsum3A_428 : i1 to vector<16xi1>
        %cumsum3A_430 = tpu.scan <sum>, %convert_element_type3A_427 masked %cumsum3A_429 : vector<16xi32>, vector<16xi1> -> vector<16xi32>
        %sub3A_431 = arith.constant 1 : i32
        %sub3A_432 = vector.broadcast %sub3A_431 : i32 to vector<16xi32>
        %sub3A_433 = arith.subi %cumsum3A_430, %sub3A_432 : vector<16xi32>
        %add3A_434 = arith.addi %while3A_248, %sub3A_433 : vector<16xi32>
        %lt3A_435 = arith.constant 16 : i32
        %lt3A_436 = vector.broadcast %lt3A_435 : i32 to vector<16xi32>
        %lt3A_437 = arith.cmpi slt, %add3A_434, %lt3A_436 : vector<16xi32>
        %and3A_438 = arith.andi %and3A_426, %lt3A_437 : vector<16xi1>
        %add3A_439 = arith.constant 96 : i32
        %add3A_440 = arith.addi %mul3A_158, %add3A_439 : i32
        %jit3A_441 = arith.constant 0 : i32
        %broadcast_in_dim3A_442 = vector.broadcast %jit3A_441 : i32 to vector<16xi32>
        %select_n3A_443 = arith.select %and3A_438, %add3A_434, %broadcast_in_dim3A_442 : vector<16xi1>, vector<16xi32>
        %add3A_444 = vector.broadcast %add3A_440 : i32 to vector<16xi32>
        %add3A_445 = arith.addi %add3A_444, %select_n3A_443 : vector<16xi32>
        tpu.vector_store_idx %arg7[%add3A_445], %get3A_254 masked %and3A_438 : memref<73728xi32, #tpu.memory_space<vmem>>[vector<16xi32>], vector<16xi32>, vector<16xi1>
        %all_reduce_population_count3A_446 = tpu.all_reduce %and3A_426 {dim = 0 : i64, kind = #tpu.reduction_kind<sum>} : vector<16xi1> -> vector<16xi32>
        %add3A_447 = arith.addi %while3A_248, %all_reduce_population_count3A_446 : vector<16xi32>
        %eq3A_448 = arith.constant 7 : i32
        %eq3A_449 = vector.broadcast %eq3A_448 : i32 to vector<16xi32>
        %eq3A_450 = arith.cmpi eq, %add3A_274, %eq3A_449 : vector<16xi32>
        %and3A_451 = arith.andi %and3A_259, %eq3A_450 : vector<16xi1>
        %convert_element_type3A_452 = arith.extui %and3A_451 : vector<16xi1> to vector<16xi32>
        %cumsum3A_453 = arith.constant true
        %cumsum3A_454 = vector.broadcast %cumsum3A_453 : i1 to vector<16xi1>
        %cumsum3A_455 = tpu.scan <sum>, %convert_element_type3A_452 masked %cumsum3A_454 : vector<16xi32>, vector<16xi1> -> vector<16xi32>
        %sub3A_456 = arith.constant 1 : i32
        %sub3A_457 = vector.broadcast %sub3A_456 : i32 to vector<16xi32>
        %sub3A_458 = arith.subi %cumsum3A_455, %sub3A_457 : vector<16xi32>
        %add3A_459 = arith.addi %while3A_249, %sub3A_458 : vector<16xi32>
        %lt3A_460 = arith.constant 16 : i32
        %lt3A_461 = vector.broadcast %lt3A_460 : i32 to vector<16xi32>
        %lt3A_462 = arith.cmpi slt, %add3A_459, %lt3A_461 : vector<16xi32>
        %and3A_463 = arith.andi %and3A_451, %lt3A_462 : vector<16xi1>
        %add3A_464 = arith.constant 112 : i32
        %add3A_465 = arith.addi %mul3A_158, %add3A_464 : i32
        %jit3A_466 = arith.constant 0 : i32
        %broadcast_in_dim3A_467 = vector.broadcast %jit3A_466 : i32 to vector<16xi32>
        %select_n3A_468 = arith.select %and3A_463, %add3A_459, %broadcast_in_dim3A_467 : vector<16xi1>, vector<16xi32>
        %add3A_469 = vector.broadcast %add3A_465 : i32 to vector<16xi32>
        %add3A_470 = arith.addi %add3A_469, %select_n3A_468 : vector<16xi32>
        tpu.vector_store_idx %arg7[%add3A_470], %get3A_254 masked %and3A_463 : memref<73728xi32, #tpu.memory_space<vmem>>[vector<16xi32>], vector<16xi32>, vector<16xi1>
        %all_reduce_population_count3A_471 = tpu.all_reduce %and3A_451 {dim = 0 : i64, kind = #tpu.reduction_kind<sum>} : vector<16xi1> -> vector<16xi32>
        %add3A_472 = arith.addi %while3A_249, %all_reduce_population_count3A_471 : vector<16xi32>
        scf.yield %add3A_297, %add3A_322, %add3A_347, %add3A_372, %add3A_397, %add3A_422, %add3A_447, %add3A_472 : vector<16xi32>, vector<16xi32>, vector<16xi32>, vector<16xi32>, vector<16xi32>, vector<16xi32>, vector<16xi32>, vector<16xi32>
      }
      %sub3A_195 = arith.constant 2064 : i32
      %sub3A_196 = arith.subi %parallel_loop3A_149#1, %sub3A_195 : i32
      %broadcast_in_dim3A_197 = vector.broadcast %parallel_loop3A_149#1 : i32 to vector<16xi32>
      %mul3A_198 = arith.constant 2 : i32
      %mul3A_199 = arith.muli %scan3A_47, %mul3A_198 : i32
      %add3A_200 = arith.constant 1 : i32
      %add3A_201 = arith.addi %mul3A_199, %add3A_200 : i32
      %mul3A_202 = arith.constant 144 : i32
      %mul3A_203 = arith.muli %add3A_201, %mul3A_202 : i32
      %add3A_204 = arith.constant 15 : i32
      %add3A_205 = arith.addi %sub3A_196, %add3A_204 : i32
      %jit3A_206 = arith.constant 16 : i32
      %div3A_207 = arith.divsi %add3A_205, %jit3A_206 : i32
      %sign3A_208 = arith.constant 0 : i32
      %sign3A_209 = arith.cmpi sgt, %add3A_205, %sign3A_208 : i32
      %sign3A_210 = arith.extui %sign3A_209 : i1 to i32
      %sign3A_211 = arith.constant 0 : i32
      %sign3A_212 = arith.cmpi slt, %add3A_205, %sign3A_211 : i32
      %sign3A_213 = arith.extui %sign3A_212 : i1 to i32
      %sign3A_214 = arith.subi %sign3A_210, %sign3A_213 : i32
      %sign3A_215 = arith.constant 0 : i32
      %sign3A_216 = arith.cmpi sgt, %jit3A_206, %sign3A_215 : i32
      %sign3A_217 = arith.extui %sign3A_216 : i1 to i32
      %sign3A_218 = arith.constant 0 : i32
      %sign3A_219 = arith.cmpi slt, %jit3A_206, %sign3A_218 : i32
      %sign3A_220 = arith.extui %sign3A_219 : i1 to i32
      %sign3A_221 = arith.subi %sign3A_217, %sign3A_220 : i32
      %ne3A_222 = arith.cmpi ne, %sign3A_214, %sign3A_221 : i32
      %rem3A_223 = arith.remsi %add3A_205, %jit3A_206 : i32
      %ne3A_224 = arith.constant 0 : i32
      %ne3A_225 = arith.cmpi ne, %rem3A_223, %ne3A_224 : i32
      %and3A_226 = arith.andi %ne3A_222, %ne3A_225 : i1
      %sub3A_227 = arith.constant 1 : i32
      %sub3A_228 = arith.subi %div3A_207, %sub3A_227 : i32
      %select_n3A_229 = arith.select %and3A_226, %sub3A_228, %div3A_207 : i32
      %while3A_230 = arith.constant 0 : i32
      %while3A_231 = arith.subi %select_n3A_229, %while3A_230 : i32
      %while3A_232 = arith.addi %while3A_230, %while3A_231 : i32
      %while3A_233 = arith.constant 1 : i32
      %while3A_234 = arith.divsi %while3A_231, %while3A_233 : i32
      %while3A_235 = arith.muli %while3A_234, %while3A_233 : i32
      %while3A_236 = arith.addi %while3A_230, %while3A_235 : i32
      %while3A_237 = arith.constant 1 : i32
      %while3A_238:8 = scf.for %while3A_241 = %while3A_230 to %while3A_236 step %while3A_237 iter_args(%while3A_242 = %broadcast_in_dim3A_39, %while3A_243 = %broadcast_in_dim3A_39, %while3A_244 = %broadcast_in_dim3A_39, %while3A_245 = %broadcast_in_dim3A_39, %while3A_246 = %broadcast_in_dim3A_39, %while3A_247 = %broadcast_in_dim3A_39, %while3A_248 = %broadcast_in_dim3A_39, %while3A_249 = %broadcast_in_dim3A_39) -> (vector<16xi32>, vector<16xi32>, vector<16xi32>, vector<16xi32>, vector<16xi32>, vector<16xi32>, vector<16xi32>, vector<16xi32>)  : i32 {
        %mul3A_250 = arith.constant 16 : i32
        %mul3A_251 = arith.muli %while3A_241, %mul3A_250 : i32
        %add3A_252 = arith.constant 2064 : i32
        %add3A_253 = arith.addi %add3A_252, %mul3A_251 : i32
        %get3A = arith.index_cast %add3A_253 : i32 to index
        %get3A_254 = tpu.vector_load %arg8[%get3A] {strides = array<i32>} : memref<4128xi32, #tpu.memory_space<vmem>>, vector<16xi32>,
        %add3A_255 = vector.broadcast %add3A_253 : i32 to vector<16xi32>
        %add3A_256 = arith.addi %add3A_255, %iota3A : vector<16xi32>
        %lt3A_257 = arith.cmpi slt, %add3A_256, %broadcast_in_dim3A_197 : vector<16xi32>
        %ne3A_258 = arith.cmpi ne, %get3A_254, %broadcast_in_dim3A_99 : vector<16xi32>
        %and3A_259 = arith.andi %lt3A_257, %ne3A_258 : vector<16xi1>
        %gather3A_260 = tpu.vector_load_idx %arg4[%get3A_254] masked %and3A_259 : memref<2048xf32, #tpu.memory_space<vmem>>[vector<16xi32>], vector<16xf32>, vector<16xi1>
        %gather3A_261 = tpu.vector_load_idx %arg5[%get3A_254] masked %and3A_259 : memref<2048xf32, #tpu.memory_space<vmem>>[vector<16xi32>], vector<16xf32>, vector<16xi1>
        %gather3A_262 = tpu.vector_load_idx %arg6[%get3A_254] masked %and3A_259 : memref<2048xf32, #tpu.memory_space<vmem>>[vector<16xi32>], vector<16xf32>, vector<16xi1>
        %gt3A = arith.cmpf ogt, %gather3A_260, %gather3A_100 : vector<16xf32>
        %convert_element_type3A = arith.extui %gt3A : vector<16xi1> to vector<16xi32>
        %mul3A_263 = arith.constant 4 : i32
        %mul3A_264 = vector.broadcast %mul3A_263 : i32 to vector<16xi32>
        %mul3A_265 = arith.muli %convert_element_type3A, %mul3A_264 : vector<16xi32>
        %gt3A_266 = arith.cmpf ogt, %gather3A_261, %gather3A_101 : vector<16xf32>
        %convert_element_type3A_267 = arith.extui %gt3A_266 : vector<16xi1> to vector<16xi32>
        %mul3A_268 = arith.constant 2 : i32
        %mul3A_269 = vector.broadcast %mul3A_268 : i32 to vector<16xi32>
        %mul3A_270 = arith.muli %convert_element_type3A_267, %mul3A_269 : vector<16xi32>
        %add3A_271 = arith.addi %mul3A_265, %mul3A_270 : vector<16xi32>
        %gt3A_272 = arith.cmpf ogt, %gather3A_262, %gather3A_102 : vector<16xf32>
        %convert_element_type3A_273 = arith.extui %gt3A_272 : vector<16xi1> to vector<16xi32>
        %add3A_274 = arith.addi %add3A_271, %convert_element_type3A_273 : vector<16xi32>
        %eq3A_275 = arith.constant 0 : i32
        %eq3A_276 = vector.broadcast %eq3A_275 : i32 to vector<16xi32>
        %eq3A_277 = arith.cmpi eq, %add3A_274, %eq3A_276 : vector<16xi32>
        %and3A_278 = arith.andi %and3A_259, %eq3A_277 : vector<16xi1>
        %convert_element_type3A_279 = arith.extui %and3A_278 : vector<16xi1> to vector<16xi32>
        %cumsum3A = arith.constant true
        %cumsum3A_280 = vector.broadcast %cumsum3A : i1 to vector<16xi1>
        %cumsum3A_281 = tpu.scan <sum>, %convert_element_type3A_279 masked %cumsum3A_280 : vector<16xi32>, vector<16xi1> -> vector<16xi32>
        %sub3A_282 = arith.constant 1 : i32
        %sub3A_283 = vector.broadcast %sub3A_282 : i32 to vector<16xi32>
        %sub3A_284 = arith.subi %cumsum3A_281, %sub3A_283 : vector<16xi32>
        %add3A_285 = arith.addi %while3A_242, %sub3A_284 : vector<16xi32>
        %lt3A_286 = arith.constant 16 : i32
        %lt3A_287 = vector.broadcast %lt3A_286 : i32 to vector<16xi32>
        %lt3A_288 = arith.cmpi slt, %add3A_285, %lt3A_287 : vector<16xi32>
        %and3A_289 = arith.andi %and3A_278, %lt3A_288 : vector<16xi1>
        %add3A_290 = arith.constant 0 : i32
        %add3A_291 = arith.addi %mul3A_203, %add3A_290 : i32
        %jit3A_292 = arith.constant 0 : i32
        %broadcast_in_dim3A_293 = vector.broadcast %jit3A_292 : i32 to vector<16xi32>
        %select_n3A_294 = arith.select %and3A_289, %add3A_285, %broadcast_in_dim3A_293 : vector<16xi1>, vector<16xi32>
        %add3A_295 = vector.broadcast %add3A_291 : i32 to vector<16xi32>
        %add3A_296 = arith.addi %add3A_295, %select_n3A_294 : vector<16xi32>
        tpu.vector_store_idx %arg7[%add3A_296], %get3A_254 masked %and3A_289 : memref<73728xi32, #tpu.memory_space<vmem>>[vector<16xi32>], vector<16xi32>, vector<16xi1>
        %all_reduce_population_count3A = tpu.all_reduce %and3A_278 {dim = 0 : i64, kind = #tpu.reduction_kind<sum>} : vector<16xi1> -> vector<16xi32>
        %add3A_297 = arith.addi %while3A_242, %all_reduce_population_count3A : vector<16xi32>
        %eq3A_298 = arith.constant 1 : i32
        %eq3A_299 = vector.broadcast %eq3A_298 : i32 to vector<16xi32>
        %eq3A_300 = arith.cmpi eq, %add3A_274, %eq3A_299 : vector<16xi32>
        %and3A_301 = arith.andi %and3A_259, %eq3A_300 : vector<16xi1>
        %convert_element_type3A_302 = arith.extui %and3A_301 : vector<16xi1> to vector<16xi32>
        %cumsum3A_303 = arith.constant true
        %cumsum3A_304 = vector.broadcast %cumsum3A_303 : i1 to vector<16xi1>
        %cumsum3A_305 = tpu.scan <sum>, %convert_element_type3A_302 masked %cumsum3A_304 : vector<16xi32>, vector<16xi1> -> vector<16xi32>
        %sub3A_306 = arith.constant 1 : i32
        %sub3A_307 = vector.broadcast %sub3A_306 : i32 to vector<16xi32>
        %sub3A_308 = arith.subi %cumsum3A_305, %sub3A_307 : vector<16xi32>
        %add3A_309 = arith.addi %while3A_243, %sub3A_308 : vector<16xi32>
        %lt3A_310 = arith.constant 16 : i32
        %lt3A_311 = vector.broadcast %lt3A_310 : i32 to vector<16xi32>
        %lt3A_312 = arith.cmpi slt, %add3A_309, %lt3A_311 : vector<16xi32>
        %and3A_313 = arith.andi %and3A_301, %lt3A_312 : vector<16xi1>
        %add3A_314 = arith.constant 16 : i32
        %add3A_315 = arith.addi %mul3A_203, %add3A_314 : i32
        %jit3A_316 = arith.constant 0 : i32
        %broadcast_in_dim3A_317 = vector.broadcast %jit3A_316 : i32 to vector<16xi32>
        %select_n3A_318 = arith.select %and3A_313, %add3A_309, %broadcast_in_dim3A_317 : vector<16xi1>, vector<16xi32>
        %add3A_319 = vector.broadcast %add3A_315 : i32 to vector<16xi32>
        %add3A_320 = arith.addi %add3A_319, %select_n3A_318 : vector<16xi32>
        tpu.vector_store_idx %arg7[%add3A_320], %get3A_254 masked %and3A_313 : memref<73728xi32, #tpu.memory_space<vmem>>[vector<16xi32>], vector<16xi32>, vector<16xi1>
        %all_reduce_population_count3A_321 = tpu.all_reduce %and3A_301 {dim = 0 : i64, kind = #tpu.reduction_kind<sum>} : vector<16xi1> -> vector<16xi32>
        %add3A_322 = arith.addi %while3A_243, %all_reduce_population_count3A_321 : vector<16xi32>
        %eq3A_323 = arith.constant 2 : i32
        %eq3A_324 = vector.broadcast %eq3A_323 : i32 to vector<16xi32>
        %eq3A_325 = arith.cmpi eq, %add3A_274, %eq3A_324 : vector<16xi32>
        %and3A_326 = arith.andi %and3A_259, %eq3A_325 : vector<16xi1>
        %convert_element_type3A_327 = arith.extui %and3A_326 : vector<16xi1> to vector<16xi32>
        %cumsum3A_328 = arith.constant true
        %cumsum3A_329 = vector.broadcast %cumsum3A_328 : i1 to vector<16xi1>
        %cumsum3A_330 = tpu.scan <sum>, %convert_element_type3A_327 masked %cumsum3A_329 : vector<16xi32>, vector<16xi1> -> vector<16xi32>
        %sub3A_331 = arith.constant 1 : i32
        %sub3A_332 = vector.broadcast %sub3A_331 : i32 to vector<16xi32>
        %sub3A_333 = arith.subi %cumsum3A_330, %sub3A_332 : vector<16xi32>
        %add3A_334 = arith.addi %while3A_244, %sub3A_333 : vector<16xi32>
        %lt3A_335 = arith.constant 16 : i32
        %lt3A_336 = vector.broadcast %lt3A_335 : i32 to vector<16xi32>
        %lt3A_337 = arith.cmpi slt, %add3A_334, %lt3A_336 : vector<16xi32>
        %and3A_338 = arith.andi %and3A_326, %lt3A_337 : vector<16xi1>
        %add3A_339 = arith.constant 32 : i32
        %add3A_340 = arith.addi %mul3A_203, %add3A_339 : i32
        %jit3A_341 = arith.constant 0 : i32
        %broadcast_in_dim3A_342 = vector.broadcast %jit3A_341 : i32 to vector<16xi32>
        %select_n3A_343 = arith.select %and3A_338, %add3A_334, %broadcast_in_dim3A_342 : vector<16xi1>, vector<16xi32>
        %add3A_344 = vector.broadcast %add3A_340 : i32 to vector<16xi32>
        %add3A_345 = arith.addi %add3A_344, %select_n3A_343 : vector<16xi32>
        tpu.vector_store_idx %arg7[%add3A_345], %get3A_254 masked %and3A_338 : memref<73728xi32, #tpu.memory_space<vmem>>[vector<16xi32>], vector<16xi32>, vector<16xi1>
        %all_reduce_population_count3A_346 = tpu.all_reduce %and3A_326 {dim = 0 : i64, kind = #tpu.reduction_kind<sum>} : vector<16xi1> -> vector<16xi32>
        %add3A_347 = arith.addi %while3A_244, %all_reduce_population_count3A_346 : vector<16xi32>
        %eq3A_348 = arith.constant 3 : i32
        %eq3A_349 = vector.broadcast %eq3A_348 : i32 to vector<16xi32>
        %eq3A_350 = arith.cmpi eq, %add3A_274, %eq3A_349 : vector<16xi32>
        %and3A_351 = arith.andi %and3A_259, %eq3A_350 : vector<16xi1>
        %convert_element_type3A_352 = arith.extui %and3A_351 : vector<16xi1> to vector<16xi32>
        %cumsum3A_353 = arith.constant true
        %cumsum3A_354 = vector.broadcast %cumsum3A_353 : i1 to vector<16xi1>
        %cumsum3A_355 = tpu.scan <sum>, %convert_element_type3A_352 masked %cumsum3A_354 : vector<16xi32>, vector<16xi1> -> vector<16xi32>
        %sub3A_356 = arith.constant 1 : i32
        %sub3A_357 = vector.broadcast %sub3A_356 : i32 to vector<16xi32>
        %sub3A_358 = arith.subi %cumsum3A_355, %sub3A_357 : vector<16xi32>
        %add3A_359 = arith.addi %while3A_245, %sub3A_358 : vector<16xi32>
        %lt3A_360 = arith.constant 16 : i32
        %lt3A_361 = vector.broadcast %lt3A_360 : i32 to vector<16xi32>
        %lt3A_362 = arith.cmpi slt, %add3A_359, %lt3A_361 : vector<16xi32>
        %and3A_363 = arith.andi %and3A_351, %lt3A_362 : vector<16xi1>
        %add3A_364 = arith.constant 48 : i32
        %add3A_365 = arith.addi %mul3A_203, %add3A_364 : i32
        %jit3A_366 = arith.constant 0 : i32
        %broadcast_in_dim3A_367 = vector.broadcast %jit3A_366 : i32 to vector<16xi32>
        %select_n3A_368 = arith.select %and3A_363, %add3A_359, %broadcast_in_dim3A_367 : vector<16xi1>, vector<16xi32>
        %add3A_369 = vector.broadcast %add3A_365 : i32 to vector<16xi32>
        %add3A_370 = arith.addi %add3A_369, %select_n3A_368 : vector<16xi32>
        tpu.vector_store_idx %arg7[%add3A_370], %get3A_254 masked %and3A_363 : memref<73728xi32, #tpu.memory_space<vmem>>[vector<16xi32>], vector<16xi32>, vector<16xi1>
        %all_reduce_population_count3A_371 = tpu.all_reduce %and3A_351 {dim = 0 : i64, kind = #tpu.reduction_kind<sum>} : vector<16xi1> -> vector<16xi32>
        %add3A_372 = arith.addi %while3A_245, %all_reduce_population_count3A_371 : vector<16xi32>
        %eq3A_373 = arith.constant 4 : i32
        %eq3A_374 = vector.broadcast %eq3A_373 : i32 to vector<16xi32>
        %eq3A_375 = arith.cmpi eq, %add3A_274, %eq3A_374 : vector<16xi32>
        %and3A_376 = arith.andi %and3A_259, %eq3A_375 : vector<16xi1>
        %convert_element_type3A_377 = arith.extui %and3A_376 : vector<16xi1> to vector<16xi32>
        %cumsum3A_378 = arith.constant true
        %cumsum3A_379 = vector.broadcast %cumsum3A_378 : i1 to vector<16xi1>
        %cumsum3A_380 = tpu.scan <sum>, %convert_element_type3A_377 masked %cumsum3A_379 : vector<16xi32>, vector<16xi1> -> vector<16xi32>
        %sub3A_381 = arith.constant 1 : i32
        %sub3A_382 = vector.broadcast %sub3A_381 : i32 to vector<16xi32>
        %sub3A_383 = arith.subi %cumsum3A_380, %sub3A_382 : vector<16xi32>
        %add3A_384 = arith.addi %while3A_246, %sub3A_383 : vector<16xi32>
        %lt3A_385 = arith.constant 16 : i32
        %lt3A_386 = vector.broadcast %lt3A_385 : i32 to vector<16xi32>
        %lt3A_387 = arith.cmpi slt, %add3A_384, %lt3A_386 : vector<16xi32>
        %and3A_388 = arith.andi %and3A_376, %lt3A_387 : vector<16xi1>
        %add3A_389 = arith.constant 64 : i32
        %add3A_390 = arith.addi %mul3A_203, %add3A_389 : i32
        %jit3A_391 = arith.constant 0 : i32
        %broadcast_in_dim3A_392 = vector.broadcast %jit3A_391 : i32 to vector<16xi32>
        %select_n3A_393 = arith.select %and3A_388, %add3A_384, %broadcast_in_dim3A_392 : vector<16xi1>, vector<16xi32>
        %add3A_394 = vector.broadcast %add3A_390 : i32 to vector<16xi32>
        %add3A_395 = arith.addi %add3A_394, %select_n3A_393 : vector<16xi32>
        tpu.vector_store_idx %arg7[%add3A_395], %get3A_254 masked %and3A_388 : memref<73728xi32, #tpu.memory_space<vmem>>[vector<16xi32>], vector<16xi32>, vector<16xi1>
        %all_reduce_population_count3A_396 = tpu.all_reduce %and3A_376 {dim = 0 : i64, kind = #tpu.reduction_kind<sum>} : vector<16xi1> -> vector<16xi32>
        %add3A_397 = arith.addi %while3A_246, %all_reduce_population_count3A_396 : vector<16xi32>
        %eq3A_398 = arith.constant 5 : i32
        %eq3A_399 = vector.broadcast %eq3A_398 : i32 to vector<16xi32>
        %eq3A_400 = arith.cmpi eq, %add3A_274, %eq3A_399 : vector<16xi32>
        %and3A_401 = arith.andi %and3A_259, %eq3A_400 : vector<16xi1>
        %convert_element_type3A_402 = arith.extui %and3A_401 : vector<16xi1> to vector<16xi32>
        %cumsum3A_403 = arith.constant true
        %cumsum3A_404 = vector.broadcast %cumsum3A_403 : i1 to vector<16xi1>
        %cumsum3A_405 = tpu.scan <sum>, %convert_element_type3A_402 masked %cumsum3A_404 : vector<16xi32>, vector<16xi1> -> vector<16xi32>
        %sub3A_406 = arith.constant 1 : i32
        %sub3A_407 = vector.broadcast %sub3A_406 : i32 to vector<16xi32>
        %sub3A_408 = arith.subi %cumsum3A_405, %sub3A_407 : vector<16xi32>
        %add3A_409 = arith.addi %while3A_247, %sub3A_408 : vector<16xi32>
        %lt3A_410 = arith.constant 16 : i32
        %lt3A_411 = vector.broadcast %lt3A_410 : i32 to vector<16xi32>
        %lt3A_412 = arith.cmpi slt, %add3A_409, %lt3A_411 : vector<16xi32>
        %and3A_413 = arith.andi %and3A_401, %lt3A_412 : vector<16xi1>
        %add3A_414 = arith.constant 80 : i32
        %add3A_415 = arith.addi %mul3A_203, %add3A_414 : i32
        %jit3A_416 = arith.constant 0 : i32
        %broadcast_in_dim3A_417 = vector.broadcast %jit3A_416 : i32 to vector<16xi32>
        %select_n3A_418 = arith.select %and3A_413, %add3A_409, %broadcast_in_dim3A_417 : vector<16xi1>, vector<16xi32>
        %add3A_419 = vector.broadcast %add3A_415 : i32 to vector<16xi32>
        %add3A_420 = arith.addi %add3A_419, %select_n3A_418 : vector<16xi32>
        tpu.vector_store_idx %arg7[%add3A_420], %get3A_254 masked %and3A_413 : memref<73728xi32, #tpu.memory_space<vmem>>[vector<16xi32>], vector<16xi32>, vector<16xi1>
        %all_reduce_population_count3A_421 = tpu.all_reduce %and3A_401 {dim = 0 : i64, kind = #tpu.reduction_kind<sum>} : vector<16xi1> -> vector<16xi32>
        %add3A_422 = arith.addi %while3A_247, %all_reduce_population_count3A_421 : vector<16xi32>
        %eq3A_423 = arith.constant 6 : i32
        %eq3A_424 = vector.broadcast %eq3A_423 : i32 to vector<16xi32>
        %eq3A_425 = arith.cmpi eq, %add3A_274, %eq3A_424 : vector<16xi32>
        %and3A_426 = arith.andi %and3A_259, %eq3A_425 : vector<16xi1>
        %convert_element_type3A_427 = arith.extui %and3A_426 : vector<16xi1> to vector<16xi32>
        %cumsum3A_428 = arith.constant true
        %cumsum3A_429 = vector.broadcast %cumsum3A_428 : i1 to vector<16xi1>
        %cumsum3A_430 = tpu.scan <sum>, %convert_element_type3A_427 masked %cumsum3A_429 : vector<16xi32>, vector<16xi1> -> vector<16xi32>
        %sub3A_431 = arith.constant 1 : i32
        %sub3A_432 = vector.broadcast %sub3A_431 : i32 to vector<16xi32>
        %sub3A_433 = arith.subi %cumsum3A_430, %sub3A_432 : vector<16xi32>
        %add3A_434 = arith.addi %while3A_248, %sub3A_433 : vector<16xi32>
        %lt3A_435 = arith.constant 16 : i32
        %lt3A_436 = vector.broadcast %lt3A_435 : i32 to vector<16xi32>
        %lt3A_437 = arith.cmpi slt, %add3A_434, %lt3A_436 : vector<16xi32>
        %and3A_438 = arith.andi %and3A_426, %lt3A_437 : vector<16xi1>
        %add3A_439 = arith.constant 96 : i32
        %add3A_440 = arith.addi %mul3A_203, %add3A_439 : i32
        %jit3A_441 = arith.constant 0 : i32
        %broadcast_in_dim3A_442 = vector.broadcast %jit3A_441 : i32 to vector<16xi32>
        %select_n3A_443 = arith.select %and3A_438, %add3A_434, %broadcast_in_dim3A_442 : vector<16xi1>, vector<16xi32>
        %add3A_444 = vector.broadcast %add3A_440 : i32 to vector<16xi32>
        %add3A_445 = arith.addi %add3A_444, %select_n3A_443 : vector<16xi32>
        tpu.vector_store_idx %arg7[%add3A_445], %get3A_254 masked %and3A_438 : memref<73728xi32, #tpu.memory_space<vmem>>[vector<16xi32>], vector<16xi32>, vector<16xi1>
        %all_reduce_population_count3A_446 = tpu.all_reduce %and3A_426 {dim = 0 : i64, kind = #tpu.reduction_kind<sum>} : vector<16xi1> -> vector<16xi32>
        %add3A_447 = arith.addi %while3A_248, %all_reduce_population_count3A_446 : vector<16xi32>
        %eq3A_448 = arith.constant 7 : i32
        %eq3A_449 = vector.broadcast %eq3A_448 : i32 to vector<16xi32>
        %eq3A_450 = arith.cmpi eq, %add3A_274, %eq3A_449 : vector<16xi32>
        %and3A_451 = arith.andi %and3A_259, %eq3A_450 : vector<16xi1>
        %convert_element_type3A_452 = arith.extui %and3A_451 : vector<16xi1> to vector<16xi32>
        %cumsum3A_453 = arith.constant true
        %cumsum3A_454 = vector.broadcast %cumsum3A_453 : i1 to vector<16xi1>
        %cumsum3A_455 = tpu.scan <sum>, %convert_element_type3A_452 masked %cumsum3A_454 : vector<16xi32>, vector<16xi1> -> vector<16xi32>
        %sub3A_456 = arith.constant 1 : i32
        %sub3A_457 = vector.broadcast %sub3A_456 : i32 to vector<16xi32>
        %sub3A_458 = arith.subi %cumsum3A_455, %sub3A_457 : vector<16xi32>
        %add3A_459 = arith.addi %while3A_249, %sub3A_458 : vector<16xi32>
        %lt3A_460 = arith.constant 16 : i32
        %lt3A_461 = vector.broadcast %lt3A_460 : i32 to vector<16xi32>
        %lt3A_462 = arith.cmpi slt, %add3A_459, %lt3A_461 : vector<16xi32>
        %and3A_463 = arith.andi %and3A_451, %lt3A_462 : vector<16xi1>
        %add3A_464 = arith.constant 112 : i32
        %add3A_465 = arith.addi %mul3A_203, %add3A_464 : i32
        %jit3A_466 = arith.constant 0 : i32
        %broadcast_in_dim3A_467 = vector.broadcast %jit3A_466 : i32 to vector<16xi32>
        %select_n3A_468 = arith.select %and3A_463, %add3A_459, %broadcast_in_dim3A_467 : vector<16xi1>, vector<16xi32>
        %add3A_469 = vector.broadcast %add3A_465 : i32 to vector<16xi32>
        %add3A_470 = arith.addi %add3A_469, %select_n3A_468 : vector<16xi32>
        tpu.vector_store_idx %arg7[%add3A_470], %get3A_254 masked %and3A_463 : memref<73728xi32, #tpu.memory_space<vmem>>[vector<16xi32>], vector<16xi32>, vector<16xi1>
        %all_reduce_population_count3A_471 = tpu.all_reduce %and3A_451 {dim = 0 : i64, kind = #tpu.reduction_kind<sum>} : vector<16xi1> -> vector<16xi32>
        %add3A_472 = arith.addi %while3A_249, %all_reduce_population_count3A_471 : vector<16xi32>
        scf.yield %add3A_297, %add3A_322, %add3A_347, %add3A_372, %add3A_397, %add3A_422, %add3A_447, %add3A_472 : vector<16xi32>, vector<16xi32>, vector<16xi32>, vector<16xi32>, vector<16xi32>, vector<16xi32>, vector<16xi32>, vector<16xi32>
      }
      %while3A_239 = arith.constant 1 : i32
      %while3A_240:8 = scf.for %while3A_241 = %while3A_236 to %while3A_232 step %while3A_239 iter_args(%while3A_242 = %while3A_238#0, %while3A_243 = %while3A_238#1, %while3A_244 = %while3A_238#2, %while3A_245 = %while3A_238#3, %while3A_246 = %while3A_238#4, %while3A_247 = %while3A_238#5, %while3A_248 = %while3A_238#6, %while3A_249 = %while3A_238#7) -> (vector<16xi32>, vector<16xi32>, vector<16xi32>, vector<16xi32>, vector<16xi32>, vector<16xi32>, vector<16xi32>, vector<16xi32>)  : i32 {
        %mul3A_250 = arith.constant 16 : i32
        %mul3A_251 = arith.muli %while3A_241, %mul3A_250 : i32
        %add3A_252 = arith.constant 2064 : i32
        %add3A_253 = arith.addi %add3A_252, %mul3A_251 : i32
        %get3A = arith.index_cast %add3A_253 : i32 to index
        %get3A_254 = tpu.vector_load %arg8[%get3A] {strides = array<i32>} : memref<4128xi32, #tpu.memory_space<vmem>>, vector<16xi32>,
        %add3A_255 = vector.broadcast %add3A_253 : i32 to vector<16xi32>
        %add3A_256 = arith.addi %add3A_255, %iota3A : vector<16xi32>
        %lt3A_257 = arith.cmpi slt, %add3A_256, %broadcast_in_dim3A_197 : vector<16xi32>
        %ne3A_258 = arith.cmpi ne, %get3A_254, %broadcast_in_dim3A_99 : vector<16xi32>
        %and3A_259 = arith.andi %lt3A_257, %ne3A_258 : vector<16xi1>
        %gather3A_260 = tpu.vector_load_idx %arg4[%get3A_254] masked %and3A_259 : memref<2048xf32, #tpu.memory_space<vmem>>[vector<16xi32>], vector<16xf32>, vector<16xi1>
        %gather3A_261 = tpu.vector_load_idx %arg5[%get3A_254] masked %and3A_259 : memref<2048xf32, #tpu.memory_space<vmem>>[vector<16xi32>], vector<16xf32>, vector<16xi1>
        %gather3A_262 = tpu.vector_load_idx %arg6[%get3A_254] masked %and3A_259 : memref<2048xf32, #tpu.memory_space<vmem>>[vector<16xi32>], vector<16xf32>, vector<16xi1>
        %gt3A = arith.cmpf ogt, %gather3A_260, %gather3A_100 : vector<16xf32>
        %convert_element_type3A = arith.extui %gt3A : vector<16xi1> to vector<16xi32>
        %mul3A_263 = arith.constant 4 : i32
        %mul3A_264 = vector.broadcast %mul3A_263 : i32 to vector<16xi32>
        %mul3A_265 = arith.muli %convert_element_type3A, %mul3A_264 : vector<16xi32>
        %gt3A_266 = arith.cmpf ogt, %gather3A_261, %gather3A_101 : vector<16xf32>
        %convert_element_type3A_267 = arith.extui %gt3A_266 : vector<16xi1> to vector<16xi32>
        %mul3A_268 = arith.constant 2 : i32
        %mul3A_269 = vector.broadcast %mul3A_268 : i32 to vector<16xi32>
        %mul3A_270 = arith.muli %convert_element_type3A_267, %mul3A_269 : vector<16xi32>
        %add3A_271 = arith.addi %mul3A_265, %mul3A_270 : vector<16xi32>
        %gt3A_272 = arith.cmpf ogt, %gather3A_262, %gather3A_102 : vector<16xf32>
        %convert_element_type3A_273 = arith.extui %gt3A_272 : vector<16xi1> to vector<16xi32>
        %add3A_274 = arith.addi %add3A_271, %convert_element_type3A_273 : vector<16xi32>
        %eq3A_275 = arith.constant 0 : i32
        %eq3A_276 = vector.broadcast %eq3A_275 : i32 to vector<16xi32>
        %eq3A_277 = arith.cmpi eq, %add3A_274, %eq3A_276 : vector<16xi32>
        %and3A_278 = arith.andi %and3A_259, %eq3A_277 : vector<16xi1>
        %convert_element_type3A_279 = arith.extui %and3A_278 : vector<16xi1> to vector<16xi32>
        %cumsum3A = arith.constant true
        %cumsum3A_280 = vector.broadcast %cumsum3A : i1 to vector<16xi1>
        %cumsum3A_281 = tpu.scan <sum>, %convert_element_type3A_279 masked %cumsum3A_280 : vector<16xi32>, vector<16xi1> -> vector<16xi32>
        %sub3A_282 = arith.constant 1 : i32
        %sub3A_283 = vector.broadcast %sub3A_282 : i32 to vector<16xi32>
        %sub3A_284 = arith.subi %cumsum3A_281, %sub3A_283 : vector<16xi32>
        %add3A_285 = arith.addi %while3A_242, %sub3A_284 : vector<16xi32>
        %lt3A_286 = arith.constant 16 : i32
        %lt3A_287 = vector.broadcast %lt3A_286 : i32 to vector<16xi32>
        %lt3A_288 = arith.cmpi slt, %add3A_285, %lt3A_287 : vector<16xi32>
        %and3A_289 = arith.andi %and3A_278, %lt3A_288 : vector<16xi1>
        %add3A_290 = arith.constant 0 : i32
        %add3A_291 = arith.addi %mul3A_203, %add3A_290 : i32
        %jit3A_292 = arith.constant 0 : i32
        %broadcast_in_dim3A_293 = vector.broadcast %jit3A_292 : i32 to vector<16xi32>
        %select_n3A_294 = arith.select %and3A_289, %add3A_285, %broadcast_in_dim3A_293 : vector<16xi1>, vector<16xi32>
        %add3A_295 = vector.broadcast %add3A_291 : i32 to vector<16xi32>
        %add3A_296 = arith.addi %add3A_295, %select_n3A_294 : vector<16xi32>
        tpu.vector_store_idx %arg7[%add3A_296], %get3A_254 masked %and3A_289 : memref<73728xi32, #tpu.memory_space<vmem>>[vector<16xi32>], vector<16xi32>, vector<16xi1>
        %all_reduce_population_count3A = tpu.all_reduce %and3A_278 {dim = 0 : i64, kind = #tpu.reduction_kind<sum>} : vector<16xi1> -> vector<16xi32>
        %add3A_297 = arith.addi %while3A_242, %all_reduce_population_count3A : vector<16xi32>
        %eq3A_298 = arith.constant 1 : i32
        %eq3A_299 = vector.broadcast %eq3A_298 : i32 to vector<16xi32>
        %eq3A_300 = arith.cmpi eq, %add3A_274, %eq3A_299 : vector<16xi32>
        %and3A_301 = arith.andi %and3A_259, %eq3A_300 : vector<16xi1>
        %convert_element_type3A_302 = arith.extui %and3A_301 : vector<16xi1> to vector<16xi32>
        %cumsum3A_303 = arith.constant true
        %cumsum3A_304 = vector.broadcast %cumsum3A_303 : i1 to vector<16xi1>
        %cumsum3A_305 = tpu.scan <sum>, %convert_element_type3A_302 masked %cumsum3A_304 : vector<16xi32>, vector<16xi1> -> vector<16xi32>
        %sub3A_306 = arith.constant 1 : i32
        %sub3A_307 = vector.broadcast %sub3A_306 : i32 to vector<16xi32>
        %sub3A_308 = arith.subi %cumsum3A_305, %sub3A_307 : vector<16xi32>
        %add3A_309 = arith.addi %while3A_243, %sub3A_308 : vector<16xi32>
        %lt3A_310 = arith.constant 16 : i32
        %lt3A_311 = vector.broadcast %lt3A_310 : i32 to vector<16xi32>
        %lt3A_312 = arith.cmpi slt, %add3A_309, %lt3A_311 : vector<16xi32>
        %and3A_313 = arith.andi %and3A_301, %lt3A_312 : vector<16xi1>
        %add3A_314 = arith.constant 16 : i32
        %add3A_315 = arith.addi %mul3A_203, %add3A_314 : i32
        %jit3A_316 = arith.constant 0 : i32
        %broadcast_in_dim3A_317 = vector.broadcast %jit3A_316 : i32 to vector<16xi32>
        %select_n3A_318 = arith.select %and3A_313, %add3A_309, %broadcast_in_dim3A_317 : vector<16xi1>, vector<16xi32>
        %add3A_319 = vector.broadcast %add3A_315 : i32 to vector<16xi32>
        %add3A_320 = arith.addi %add3A_319, %select_n3A_318 : vector<16xi32>
        tpu.vector_store_idx %arg7[%add3A_320], %get3A_254 masked %and3A_313 : memref<73728xi32, #tpu.memory_space<vmem>>[vector<16xi32>], vector<16xi32>, vector<16xi1>
        %all_reduce_population_count3A_321 = tpu.all_reduce %and3A_301 {dim = 0 : i64, kind = #tpu.reduction_kind<sum>} : vector<16xi1> -> vector<16xi32>
        %add3A_322 = arith.addi %while3A_243, %all_reduce_population_count3A_321 : vector<16xi32>
        %eq3A_323 = arith.constant 2 : i32
        %eq3A_324 = vector.broadcast %eq3A_323 : i32 to vector<16xi32>
        %eq3A_325 = arith.cmpi eq, %add3A_274, %eq3A_324 : vector<16xi32>
        %and3A_326 = arith.andi %and3A_259, %eq3A_325 : vector<16xi1>
        %convert_element_type3A_327 = arith.extui %and3A_326 : vector<16xi1> to vector<16xi32>
        %cumsum3A_328 = arith.constant true
        %cumsum3A_329 = vector.broadcast %cumsum3A_328 : i1 to vector<16xi1>
        %cumsum3A_330 = tpu.scan <sum>, %convert_element_type3A_327 masked %cumsum3A_329 : vector<16xi32>, vector<16xi1> -> vector<16xi32>
        %sub3A_331 = arith.constant 1 : i32
        %sub3A_332 = vector.broadcast %sub3A_331 : i32 to vector<16xi32>
        %sub3A_333 = arith.subi %cumsum3A_330, %sub3A_332 : vector<16xi32>
        %add3A_334 = arith.addi %while3A_244, %sub3A_333 : vector<16xi32>
        %lt3A_335 = arith.constant 16 : i32
        %lt3A_336 = vector.broadcast %lt3A_335 : i32 to vector<16xi32>
        %lt3A_337 = arith.cmpi slt, %add3A_334, %lt3A_336 : vector<16xi32>
        %and3A_338 = arith.andi %and3A_326, %lt3A_337 : vector<16xi1>
        %add3A_339 = arith.constant 32 : i32
        %add3A_340 = arith.addi %mul3A_203, %add3A_339 : i32
        %jit3A_341 = arith.constant 0 : i32
        %broadcast_in_dim3A_342 = vector.broadcast %jit3A_341 : i32 to vector<16xi32>
        %select_n3A_343 = arith.select %and3A_338, %add3A_334, %broadcast_in_dim3A_342 : vector<16xi1>, vector<16xi32>
        %add3A_344 = vector.broadcast %add3A_340 : i32 to vector<16xi32>
        %add3A_345 = arith.addi %add3A_344, %select_n3A_343 : vector<16xi32>
        tpu.vector_store_idx %arg7[%add3A_345], %get3A_254 masked %and3A_338 : memref<73728xi32, #tpu.memory_space<vmem>>[vector<16xi32>], vector<16xi32>, vector<16xi1>
        %all_reduce_population_count3A_346 = tpu.all_reduce %and3A_326 {dim = 0 : i64, kind = #tpu.reduction_kind<sum>} : vector<16xi1> -> vector<16xi32>
        %add3A_347 = arith.addi %while3A_244, %all_reduce_population_count3A_346 : vector<16xi32>
        %eq3A_348 = arith.constant 3 : i32
        %eq3A_349 = vector.broadcast %eq3A_348 : i32 to vector<16xi32>
        %eq3A_350 = arith.cmpi eq, %add3A_274, %eq3A_349 : vector<16xi32>
        %and3A_351 = arith.andi %and3A_259, %eq3A_350 : vector<16xi1>
        %convert_element_type3A_352 = arith.extui %and3A_351 : vector<16xi1> to vector<16xi32>
        %cumsum3A_353 = arith.constant true
        %cumsum3A_354 = vector.broadcast %cumsum3A_353 : i1 to vector<16xi1>
        %cumsum3A_355 = tpu.scan <sum>, %convert_element_type3A_352 masked %cumsum3A_354 : vector<16xi32>, vector<16xi1> -> vector<16xi32>
        %sub3A_356 = arith.constant 1 : i32
        %sub3A_357 = vector.broadcast %sub3A_356 : i32 to vector<16xi32>
        %sub3A_358 = arith.subi %cumsum3A_355, %sub3A_357 : vector<16xi32>
        %add3A_359 = arith.addi %while3A_245, %sub3A_358 : vector<16xi32>
        %lt3A_360 = arith.constant 16 : i32
        %lt3A_361 = vector.broadcast %lt3A_360 : i32 to vector<16xi32>
        %lt3A_362 = arith.cmpi slt, %add3A_359, %lt3A_361 : vector<16xi32>
        %and3A_363 = arith.andi %and3A_351, %lt3A_362 : vector<16xi1>
        %add3A_364 = arith.constant 48 : i32
        %add3A_365 = arith.addi %mul3A_203, %add3A_364 : i32
        %jit3A_366 = arith.constant 0 : i32
        %broadcast_in_dim3A_367 = vector.broadcast %jit3A_366 : i32 to vector<16xi32>
        %select_n3A_368 = arith.select %and3A_363, %add3A_359, %broadcast_in_dim3A_367 : vector<16xi1>, vector<16xi32>
        %add3A_369 = vector.broadcast %add3A_365 : i32 to vector<16xi32>
        %add3A_370 = arith.addi %add3A_369, %select_n3A_368 : vector<16xi32>
        tpu.vector_store_idx %arg7[%add3A_370], %get3A_254 masked %and3A_363 : memref<73728xi32, #tpu.memory_space<vmem>>[vector<16xi32>], vector<16xi32>, vector<16xi1>
        %all_reduce_population_count3A_371 = tpu.all_reduce %and3A_351 {dim = 0 : i64, kind = #tpu.reduction_kind<sum>} : vector<16xi1> -> vector<16xi32>
        %add3A_372 = arith.addi %while3A_245, %all_reduce_population_count3A_371 : vector<16xi32>
        %eq3A_373 = arith.constant 4 : i32
        %eq3A_374 = vector.broadcast %eq3A_373 : i32 to vector<16xi32>
        %eq3A_375 = arith.cmpi eq, %add3A_274, %eq3A_374 : vector<16xi32>
        %and3A_376 = arith.andi %and3A_259, %eq3A_375 : vector<16xi1>
        %convert_element_type3A_377 = arith.extui %and3A_376 : vector<16xi1> to vector<16xi32>
        %cumsum3A_378 = arith.constant true
        %cumsum3A_379 = vector.broadcast %cumsum3A_378 : i1 to vector<16xi1>
        %cumsum3A_380 = tpu.scan <sum>, %convert_element_type3A_377 masked %cumsum3A_379 : vector<16xi32>, vector<16xi1> -> vector<16xi32>
        %sub3A_381 = arith.constant 1 : i32
        %sub3A_382 = vector.broadcast %sub3A_381 : i32 to vector<16xi32>
        %sub3A_383 = arith.subi %cumsum3A_380, %sub3A_382 : vector<16xi32>
        %add3A_384 = arith.addi %while3A_246, %sub3A_383 : vector<16xi32>
        %lt3A_385 = arith.constant 16 : i32
        %lt3A_386 = vector.broadcast %lt3A_385 : i32 to vector<16xi32>
        %lt3A_387 = arith.cmpi slt, %add3A_384, %lt3A_386 : vector<16xi32>
        %and3A_388 = arith.andi %and3A_376, %lt3A_387 : vector<16xi1>
        %add3A_389 = arith.constant 64 : i32
        %add3A_390 = arith.addi %mul3A_203, %add3A_389 : i32
        %jit3A_391 = arith.constant 0 : i32
        %broadcast_in_dim3A_392 = vector.broadcast %jit3A_391 : i32 to vector<16xi32>
        %select_n3A_393 = arith.select %and3A_388, %add3A_384, %broadcast_in_dim3A_392 : vector<16xi1>, vector<16xi32>
        %add3A_394 = vector.broadcast %add3A_390 : i32 to vector<16xi32>
        %add3A_395 = arith.addi %add3A_394, %select_n3A_393 : vector<16xi32>
        tpu.vector_store_idx %arg7[%add3A_395], %get3A_254 masked %and3A_388 : memref<73728xi32, #tpu.memory_space<vmem>>[vector<16xi32>], vector<16xi32>, vector<16xi1>
        %all_reduce_population_count3A_396 = tpu.all_reduce %and3A_376 {dim = 0 : i64, kind = #tpu.reduction_kind<sum>} : vector<16xi1> -> vector<16xi32>
        %add3A_397 = arith.addi %while3A_246, %all_reduce_population_count3A_396 : vector<16xi32>
        %eq3A_398 = arith.constant 5 : i32
        %eq3A_399 = vector.broadcast %eq3A_398 : i32 to vector<16xi32>
        %eq3A_400 = arith.cmpi eq, %add3A_274, %eq3A_399 : vector<16xi32>
        %and3A_401 = arith.andi %and3A_259, %eq3A_400 : vector<16xi1>
        %convert_element_type3A_402 = arith.extui %and3A_401 : vector<16xi1> to vector<16xi32>
        %cumsum3A_403 = arith.constant true
        %cumsum3A_404 = vector.broadcast %cumsum3A_403 : i1 to vector<16xi1>
        %cumsum3A_405 = tpu.scan <sum>, %convert_element_type3A_402 masked %cumsum3A_404 : vector<16xi32>, vector<16xi1> -> vector<16xi32>
        %sub3A_406 = arith.constant 1 : i32
        %sub3A_407 = vector.broadcast %sub3A_406 : i32 to vector<16xi32>
        %sub3A_408 = arith.subi %cumsum3A_405, %sub3A_407 : vector<16xi32>
        %add3A_409 = arith.addi %while3A_247, %sub3A_408 : vector<16xi32>
        %lt3A_410 = arith.constant 16 : i32
        %lt3A_411 = vector.broadcast %lt3A_410 : i32 to vector<16xi32>
        %lt3A_412 = arith.cmpi slt, %add3A_409, %lt3A_411 : vector<16xi32>
        %and3A_413 = arith.andi %and3A_401, %lt3A_412 : vector<16xi1>
        %add3A_414 = arith.constant 80 : i32
        %add3A_415 = arith.addi %mul3A_203, %add3A_414 : i32
        %jit3A_416 = arith.constant 0 : i32
        %broadcast_in_dim3A_417 = vector.broadcast %jit3A_416 : i32 to vector<16xi32>
        %select_n3A_418 = arith.select %and3A_413, %add3A_409, %broadcast_in_dim3A_417 : vector<16xi1>, vector<16xi32>
        %add3A_419 = vector.broadcast %add3A_415 : i32 to vector<16xi32>
        %add3A_420 = arith.addi %add3A_419, %select_n3A_418 : vector<16xi32>
        tpu.vector_store_idx %arg7[%add3A_420], %get3A_254 masked %and3A_413 : memref<73728xi32, #tpu.memory_space<vmem>>[vector<16xi32>], vector<16xi32>, vector<16xi1>
        %all_reduce_population_count3A_421 = tpu.all_reduce %and3A_401 {dim = 0 : i64, kind = #tpu.reduction_kind<sum>} : vector<16xi1> -> vector<16xi32>
        %add3A_422 = arith.addi %while3A_247, %all_reduce_population_count3A_421 : vector<16xi32>
        %eq3A_423 = arith.constant 6 : i32
        %eq3A_424 = vector.broadcast %eq3A_423 : i32 to vector<16xi32>
        %eq3A_425 = arith.cmpi eq, %add3A_274, %eq3A_424 : vector<16xi32>
        %and3A_426 = arith.andi %and3A_259, %eq3A_425 : vector<16xi1>
        %convert_element_type3A_427 = arith.extui %and3A_426 : vector<16xi1> to vector<16xi32>
        %cumsum3A_428 = arith.constant true
        %cumsum3A_429 = vector.broadcast %cumsum3A_428 : i1 to vector<16xi1>
        %cumsum3A_430 = tpu.scan <sum>, %convert_element_type3A_427 masked %cumsum3A_429 : vector<16xi32>, vector<16xi1> -> vector<16xi32>
        %sub3A_431 = arith.constant 1 : i32
        %sub3A_432 = vector.broadcast %sub3A_431 : i32 to vector<16xi32>
        %sub3A_433 = arith.subi %cumsum3A_430, %sub3A_432 : vector<16xi32>
        %add3A_434 = arith.addi %while3A_248, %sub3A_433 : vector<16xi32>
        %lt3A_435 = arith.constant 16 : i32
        %lt3A_436 = vector.broadcast %lt3A_435 : i32 to vector<16xi32>
        %lt3A_437 = arith.cmpi slt, %add3A_434, %lt3A_436 : vector<16xi32>
        %and3A_438 = arith.andi %and3A_426, %lt3A_437 : vector<16xi1>
        %add3A_439 = arith.constant 96 : i32
        %add3A_440 = arith.addi %mul3A_203, %add3A_439 : i32
        %jit3A_441 = arith.constant 0 : i32
        %broadcast_in_dim3A_442 = vector.broadcast %jit3A_441 : i32 to vector<16xi32>
        %select_n3A_443 = arith.select %and3A_438, %add3A_434, %broadcast_in_dim3A_442 : vector<16xi1>, vector<16xi32>
        %add3A_444 = vector.broadcast %add3A_440 : i32 to vector<16xi32>
        %add3A_445 = arith.addi %add3A_444, %select_n3A_443 : vector<16xi32>
        tpu.vector_store_idx %arg7[%add3A_445], %get3A_254 masked %and3A_438 : memref<73728xi32, #tpu.memory_space<vmem>>[vector<16xi32>], vector<16xi32>, vector<16xi1>
        %all_reduce_population_count3A_446 = tpu.all_reduce %and3A_426 {dim = 0 : i64, kind = #tpu.reduction_kind<sum>} : vector<16xi1> -> vector<16xi32>
        %add3A_447 = arith.addi %while3A_248, %all_reduce_population_count3A_446 : vector<16xi32>
        %eq3A_448 = arith.constant 7 : i32
        %eq3A_449 = vector.broadcast %eq3A_448 : i32 to vector<16xi32>
        %eq3A_450 = arith.cmpi eq, %add3A_274, %eq3A_449 : vector<16xi32>
        %and3A_451 = arith.andi %and3A_259, %eq3A_450 : vector<16xi1>
        %convert_element_type3A_452 = arith.extui %and3A_451 : vector<16xi1> to vector<16xi32>
        %cumsum3A_453 = arith.constant true
        %cumsum3A_454 = vector.broadcast %cumsum3A_453 : i1 to vector<16xi1>
        %cumsum3A_455 = tpu.scan <sum>, %convert_element_type3A_452 masked %cumsum3A_454 : vector<16xi32>, vector<16xi1> -> vector<16xi32>
        %sub3A_456 = arith.constant 1 : i32
        %sub3A_457 = vector.broadcast %sub3A_456 : i32 to vector<16xi32>
        %sub3A_458 = arith.subi %cumsum3A_455, %sub3A_457 : vector<16xi32>
        %add3A_459 = arith.addi %while3A_249, %sub3A_458 : vector<16xi32>
        %lt3A_460 = arith.constant 16 : i32
        %lt3A_461 = vector.broadcast %lt3A_460 : i32 to vector<16xi32>
        %lt3A_462 = arith.cmpi slt, %add3A_459, %lt3A_461 : vector<16xi32>
        %and3A_463 = arith.andi %and3A_451, %lt3A_462 : vector<16xi1>
        %add3A_464 = arith.constant 112 : i32
        %add3A_465 = arith.addi %mul3A_203, %add3A_464 : i32
        %jit3A_466 = arith.constant 0 : i32
        %broadcast_in_dim3A_467 = vector.broadcast %jit3A_466 : i32 to vector<16xi32>
        %select_n3A_468 = arith.select %and3A_463, %add3A_459, %broadcast_in_dim3A_467 : vector<16xi1>, vector<16xi32>
        %add3A_469 = vector.broadcast %add3A_465 : i32 to vector<16xi32>
        %add3A_470 = arith.addi %add3A_469, %select_n3A_468 : vector<16xi32>
        tpu.vector_store_idx %arg7[%add3A_470], %get3A_254 masked %and3A_463 : memref<73728xi32, #tpu.memory_space<vmem>>[vector<16xi32>], vector<16xi32>, vector<16xi1>
        %all_reduce_population_count3A_471 = tpu.all_reduce %and3A_451 {dim = 0 : i64, kind = #tpu.reduction_kind<sum>} : vector<16xi1> -> vector<16xi32>
        %add3A_472 = arith.addi %while3A_249, %all_reduce_population_count3A_471 : vector<16xi32>
        scf.yield %add3A_297, %add3A_322, %add3A_347, %add3A_372, %add3A_397, %add3A_422, %add3A_447, %add3A_472 : vector<16xi32>, vector<16xi32>, vector<16xi32>, vector<16xi32>, vector<16xi32>, vector<16xi32>, vector<16xi32>, vector<16xi32>
      }
    }
    %scan3A_44 = arith.constant 256 : i32
    %mul3A_45 = arith.constant 73728 : i32
    %mul3A_46 = arith.muli %add3A, %mul3A_45 : i32
    "tpu.region"() ({
      %run_scoped3A = tpu.sem_alloc : memref<!tpu.dma_semaphore, #tpu.memory_space<semaphore_mem>>
      %dma_start3A = tpu.memref_slice %arg3[%mul3A_46] : memref<2359296xi32, #tpu.memory_space<hbm>> -> memref<73728xi32, #tpu.memory_space<hbm>>
      %dma_start3A_47 = tpu.memref_slice %arg3[%mul3A_46] : memref<2359296xi32, #tpu.memory_space<hbm>> -> memref<73728xi32, #tpu.memory_space<hbm>>
      tpu.enqueue_dma source(%arg7 : memref<73728xi32, #tpu.memory_space<vmem>>) target(%dma_start3A_47 : memref<73728xi32, #tpu.memory_space<hbm>>) target_semaphore(%run_scoped3A : memref<!tpu.dma_semaphore, #tpu.memory_space<semaphore_mem>>)
      %dma_wait3A = tpu.memref_slice %arg3[%mul3A_46] : memref<2359296xi32, #tpu.memory_space<hbm>> -> memref<73728xi32, #tpu.memory_space<hbm>>
      %dma_wait3A_48 = tpu.memref_slice %arg3[%mul3A_46] : memref<2359296xi32, #tpu.memory_space<hbm>> -> memref<73728xi32, #tpu.memory_space<hbm>>
      tpu.wait_dma2 semaphore(%run_scoped3A : memref<!tpu.dma_semaphore, #tpu.memory_space<semaphore_mem>>) src(%arg7 : memref<73728xi32, #tpu.memory_space<vmem>>) dst(%dma_wait3A_48 : memref<73728xi32, #tpu.memory_space<hbm>>)
      tpu.yield
    }) : () -> ()
    return
  }
}

</mosaic_0001>

<sc_bundles>
// kernel: kernel.3.cloned.1.call-start
scs
__scs_entry_jumppad:
0x0: {  	(pc) =	sbr.rel $0x88, $3  }
0x1: {  	(tag) =	ssettag $0x0;
	lr =	simm.s32 $0x1  }
0x2: {  	[smem:$0x3FA0] =	sst lr;
	_ =	strace $0xD0000000  }
0x3: {  	_ = 	snop  }
0x4: {  	_ = 	snop  }
0x5: {  	_ = 	snop  }
0x6: {  	_ = 	snop  }
0x7: {  	_ = 	snop  }
__scs_overlays_trampoline_lowered:
0x8: {  	[smem:$0x3FAF] =	sst s0  }
0x9: {  	[smem:$0x3FB0] =	sst s1  }
0xa: {  	[smem:$0x3FB1] =	sst s2  }
0xb: {  	[smem:$0x3FB2] =	sst s3  }
0xc: {  	[smem:$0x3FB3] =	sst s4  }
0xd: {  	[smem:$0x3FB4] =	sst s5  }
0xe: {  	[smem:$0x3FB5] =	sst s6  }
0xf: {  	[smem:$0x3FB6] =	sst s7  }
0x10: {  	[smem:$0x3FB7] =	sst s8  }
0x11: {  	[smem:$0x3FB8] =	sst s9;
	s0 =	simm.s32 @!p0 $0x0  }
0x12: {  	s1 =	sld [smem:$0x3F9E];
	s0 =	simm.s32 @p0 $0x1  }
0x13: {  	[smem:$0x3FB9] =	sst s0;
	s0 =	simm.s32 @!p1 $0x0  }
0x14: {  	s2 =	sld [smem:$0x3F9D];
	s0 =	simm.s32 @p1 $0x1  }
0x15: {  	[smem:$0x3FBA] =	sst s0;
	s0 =	simm.s32 @!p2 $0x0  }
0x16: {  	s3 =	sld [smem:$0x3FDB];
	s0 =	simm.s32 @p2 $0x1  }
0x17: {  	s4 =	simm.s32 $0x1BF5;
	[smem:$0x3FBC] =	sst s0  }
0x18: {  	s0 =	sld [smem:$0x3F9F];
	_ =	swait.ge [sflag:s4], $0x0  }
0x19: {  	s7 =	sld [smem:$0x3FA0]  }
0x1a: {  	s8 =	sadd.s32 $0xFFFFE003, lr  }
0x1b: {  	s9 =	sadd.s32 $0xFFFFFEF7, lr;
	s5 =	simm.s32 $0xFFFFFFFF;
	p2 =	slt.u32 s8, $0xFFFFF086  }
0x1c: {  	p1 =	slt.u32 s9, $0xF7A;
	s5 =	simm.s32 @!p2 $0x0  }
0x1d: {  	s5 =	simm.s32 @p1 $0x1;
	p0 =	seq.s32 s7, s2  }
0x1e: {  	s7 =	smul.u32 @!p0 $0xF7A, s2;
	p2 =	seq.s32 @!p0 s5, $0x0  }
0x1f: {  	s9 =	smul.u32 $0xF7A, s1;
	s8 =	simm.s32 @!p0 $0x1BF5;
	p2 =	por !p2, p0  }
0x20: {  	[sflag:s8] =	ssyncset.s32 @!p0 $0xFFFFF086;
	s6 =	sadd.s32 @!p0 s3, s7;
	s7 =	simm.s32 @!p0 $0x108  }
0x21: {  	s3 =	sadd.s32 s3, s9;
	s6 =	sadd.s32 @!p0 $0x88, s6;
	s7 =	simm.s32 @p2 $0x1082  }
0x22: {  	[simem:s7], [sflag:s8] =	dma.local @!p0 [hbm:s6], $0xF7A  }
0x23: {  	s9 =	sor.u32 $0xD0000000, s2;
	s6 =	simm.s32 $0x108;
	_ =	swait.ge @!p0 [sflag:s8], $0x0  }
0x24: {  	s3 =	sadd.s32 $0x88, s3;
	s6 =	simm.s32 @!p1 $0x1082;
	[sflag:s4] =	ssyncset.s32 $0xFFFFF086  }
0x25: {  	[simem:s6], [sflag:s4] =	dma.local [hbm:s3], $0xF7A  }
0x26: {  	[smem:$0x3FA0] =	sst s1;
	(tag) =	ssettag s2;
	_ =	strace s9  }
0x27: {  	s1 =	sld [smem:$0x3FB0]  }
0x28: {  	s2 =	sld [smem:$0x3FB1]  }
0x29: {  	s4 =	sld [smem:$0x3FB3]  }
0x2a: {  	p0 =	seq.s32 s5, $0x0;
	s5 =	sld [smem:$0x3FB4]  }
0x2b: {  	s6 =	sld [smem:$0x3FB5]  }
0x2c: {  	s7 =	sld [smem:$0x3FB6]  }
0x2d: {  	s3 =	simm.s32 $0x108;
	s8 =	sld [smem:$0x3FB7]  }
0x2e: {  	s3 =	simm.s32 @!p0 $0x1082;
	s9 =	sld [smem:$0x3FB8]  }
0x2f: {  	lr =	sadd.s32 s0, s3;
	s0 =	sld [smem:$0x3FAF]  }
0x30: {  	s3 =	sld [smem:$0x3FB2]  }
0x31: {  	[smem:$0x3FBB] =	sst s10  }
0x32: {  	s10 =	sld [smem:$0x3FB9];
	_ =	sdelay $0x3  }
0x33: {  	p0 =	seq.s32 s10, $0x1;
	s10 =	sld [smem:$0x3FBB];
	_ =	sdelay $0x3  }
0x34: {  	[smem:$0x3FBB] =	sst s10  }
0x35: {  	s10 =	sld [smem:$0x3FBA];
	_ =	sdelay $0x3  }
0x36: {  	p1 =	seq.s32 s10, $0x1;
	s10 =	sld [smem:$0x3FBB];
	_ =	sdelay $0x3  }
0x37: {  	[smem:$0x3FBB] =	sst s10  }
0x38: {  	s10 =	sld [smem:$0x3FBC]  }
0x39: {  	_ = 	snop;
	(pc) =	sbr.ind lr, $3  }
0x3a: {  	_ = 	snop  }
0x3b: {  	_ = 	snop  }
0x3c: {  	p2 =	seq.s32 s10, $0x1;
	s10 =	sld [smem:$0x3FBB]  }
0x3d: {  	_ =	shalt  }
0x3e: {  	_ =	shalt  }
0x3f: {  	_ =	shalt  }
0x40: {  	_ =	shalt  }
0x41: {  	_ =	shalt  }
0x42: {  	_ =	shalt  }
0x43: {  	_ =	shalt  }
0x44: {  	_ =	shalt  }
0x45: {  	_ =	shalt  }
0x46: {  	_ =	shalt  }
0x47: {  	_ =	shalt  }
0x48: {  	_ =	shalt  }
0x49: {  	_ =	shalt  }
0x4a: {  	_ =	shalt  }
0x4b: {  	_ =	shalt  }
0x4c: {  	_ =	shalt  }
0x4d: {  	_ =	shalt  }
0x4e: {  	_ =	shalt  }
0x4f: {  	_ =	shalt  }
0x50: {  	_ =	shalt  }
0x51: {  	_ =	shalt  }
0x52: {  	_ =	shalt  }
0x53: {  	_ =	shalt  }
0x54: {  	_ =	shalt  }
0x55: {  	_ =	shalt  }
0x56: {  	_ =	shalt  }
0x57: {  	_ =	shalt  }
0x58: {  	_ =	shalt  }
0x59: {  	_ =	shalt  }
0x5a: {  	_ =	shalt  }
0x5b: {  	_ =	shalt  }
0x5c: {  	_ =	shalt  }
0x5d: {  	_ =	shalt  }
0x5e: {  	_ =	shalt  }
0x5f: {  	_ =	shalt  }
0x60: {  	_ =	shalt  }
0x61: {  	_ =	shalt  }
0x62: {  	_ =	shalt  }
0x63: {  	_ =	shalt  }
0x64: {  	_ =	shalt  }
0x65: {  	_ =	shalt  }
0x66: {  	_ =	shalt  }
0x67: {  	_ =	shalt  }
0x68: {  	_ =	shalt  }
0x69: {  	_ =	shalt  }
0x6a: {  	_ =	shalt  }
0x6b: {  	_ =	shalt  }
0x6c: {  	_ =	shalt  }
0x6d: {  	_ =	shalt  }
0x6e: {  	_ =	shalt  }
0x6f: {  	_ =	shalt  }
0x70: {  	_ =	shalt  }
0x71: {  	_ =	shalt  }
0x72: {  	_ =	shalt  }
0x73: {  	_ =	shalt  }
0x74: {  	_ =	shalt  }
0x75: {  	_ =	shalt  }
0x76: {  	_ =	shalt  }
0x77: {  	_ =	shalt  }
0x78: {  	_ =	shalt  }
0x79: {  	_ =	shalt  }
0x7a: {  	_ =	shalt  }
0x7b: {  	_ =	shalt  }
0x7c: {  	_ =	shalt  }
0x7d: {  	_ =	shalt  }
0x7e: {  	_ =	shalt  }
0x7f: {  	_ =	shalt  }
0x80: {  	_ =	shalt  }
0x81: {  	_ =	shalt  }
0x82: {  	_ =	shalt  }
0x83: {  	_ =	shalt  }
0x84: {  	_ =	shalt  }
0x85: {  	_ =	shalt  }
0x86: {  	_ =	shalt  }
0x87: {  	_ =	shalt  }
.Lfunc_end0:
.L_simem_size_0:
called_computation_lowered:
.L_overlay_start_0:
0x88: {  	s2 =	sld [smem:$0x3FD9]  }
0x89: {  	s3 =	sld [smem:$0x3FFE];
	_ =	sdelay $0x1  }
0x8a: {  	s1 =	srdreg.scid  }
0x8b: {  	s0 =	sand.u32 $0x1, s1  }
0x8c: {  	s17 =	sshll.u32 s0, $0xA;
	s2 =	sadd.s32 s3, s2  }
0x8d: {  	s2 =	sadd.s32 s2, s17  }
0x8e: {  	[smem:$0x3FC7] =	sst s2  }
0x8f: {  	_ = 	snop  }
0x90: {  	s2 =	sld [smem:$0x3FD0];
	(tm) =	ssettm $0x1  }
0x91: {  	s18 =	sld [smem:$0x3FFB];
	_ =	sdelay $0x3  }
0x92: {  	_ =	strace s18  }
0x93: {  	s3 =	sld [smem:$0x3FFC];
	_ =	sdelay $0x3  }
0x94: {  	_ =	strace s3  }
0x95: {  	s3 =	sld [smem:$0x3FFD];
	_ =	sdelay $0x3  }
0x96: {  	_ =	strace s3  }
0x97: {  	_ =	strace $0x8FFFFFFF  }
0x98: {  	s19 =	sld [smem:$0x3FDB];
	_ =	sdelay $0x1  }
0x99: {  	s4 =	simm.s32 $_scs_section_size  }
0x9a: {  	s5 =	simm.s32 $_size__tile_overlayer_lowered;
	s6 =	simm.s32 $_tile_overlayer_lowered  }
0x9b: {  	s22 =	simm.s32 $0x1BFF;
	s21 =	sshll.u32 s6, $0x1;
	s3 =	sadd.s32 s4, s19  }
0x9c: {  	s7 =	simm.s32 $0x0;
	s20 =	sshll.u32 s5, $0x1;
	s5 =	sadd.s32 s21, s3  }
0x9d: {  	[timem:s7], [sflag:s22] =	dma.local [hbm:s5], s20  }
0x9e: {  	_ =	swait.ge [sflag:s22], s20  }
0x9f: {  	s4 =	ssub.s32 $0x0, s20;
	[sflag:s22] =	ssyncset.done $0x0  }
0xa0: {  	[sflag:s22] =	ssyncadd.s32 s4;
	_ =	sdelay $0x1  }
0xa1: {  	s23 =	simm.s32 $0x1B8B  }
0xa2: {  	_ =	swait.ge [sflag:s23], $0x1  }
0xa3: {  	[sflag:s23] =	ssyncset.done $0x0  }
0xa4: {  	s25 =	simm.s32 $0x1B8E;
	s24 =	sld [smem:$0x3FFE];
	[sflag:s23] =	ssyncadd.s32 $0xFFFFFFFF  }
0xa5: {  	s26 =	simm.s32 $execute0_lowered;
	[smem:$0x3FD2] =	sst s25  }
0xa6: {  	s5 =	sshll.u32 s26, $0x1;
	_ =	strace $0x80000046;
	[dreg:$0x1] =	wrdreg $0xFFFFFFFF  }
0xa7: {  	s28 =	simm.s32 $_size_execute0_lowered;
	s3 =	sadd.s32 s3, s5;
	[dreg:$0x0] =	wrdreg $0x0  }
0xa8: {  	s5 =	sshll.u32 s28, $0x1;
	[dreg:$0x2] =	wrdreg s3  }
0xa9: {  	[dreg:$0x3] =	wrdreg s5  }
0xaa: {  	[dreg:$0x4] =	wrdreg $0xC0  }
0xab: {  	_ =	task [dreg:s7], $0x5FFFF  }
0xac: {  	[dreg:$0x1] =	wrdreg $0xFFFFFFFF  }
0xad: {  	[dreg:$0x0] =	wrdreg $0x60  }
0xae: {  	[dreg:$0x2] =	wrdreg s24  }
0xaf: {  	[dreg:$0x3] =	wrdreg s2  }
0xb0: {  	[dreg:$0x4] =	wrdreg $0x9  }
0xb1: {  	_ =	task.clear_ibuf [dreg:s7], $0x5FFFF;
	_ =	strace $0x90000046  }
0xb2: {  	s29 =	simm.s32 $0x9;
	_ =	strace $0x80000048  }
0xb3: {  	_ =	swait.ge [sflag:s29], $0x1  }
0xb4: {  	[sflag:s29] =	ssyncadd.s32 $0xFFFFFFFF  }
0xb5: {  	_ =	strace $0x90000048  }
0xb6: {  	_ =	sfence  }
0xb7: {  	s30 =	sld [smem:$0x0];
	_ =	sdelay $0x2  }
0xb8: {  	s31 =	sshll.u32 s1, $0xD;
	s1 =	sshrl.u32 s1, $0x2  }
0xb9: {  	s3 =	sand.u32 $0x4000, s31;
	s1 =	sadd.s32 s1, s30  }
0xba: {  	s0 =	sor.u32 s3, s0;
	s1 =	sshll.u32 s1, $0x11  }
0xbb: {  	s0 =	sor.u32 s1, s0  }
0xbc: {  	s0 =	sadd.s32 $0x8F2B, s0  }
0xbd: {  	[sflag:s0] =	ssyncadd.remote.s32 $0x1  }
0xbe: {  	_ =	sfence.sel $0xFFFF  }
0xbf: {  	[dreg:$0x0] =	wrdreg $0xFFFFFFFF;
	(pc) =	sbr.abs _section_cstart, $3  }
0xc0: {  	[dreg:$0x1] =	wrdreg $0xFFFFFFFF  }
0xc1: {  	_ =	task.clear_ibuf [dreg:s7], $0x2FFFF;
	_ =	strace $0x9FFFFFFF  }
0xc2: {  	(tm) =	ssettm $0x7FFFFFFF  }
0xc3: {  	_ =	shalt  }
tec
execute0_lowered:
.L_overlay_start_1:
0x0: {  	(tag) =	ssettag $0x1  }
0x1: {  	s0 =	rddreg [dreg:$0x0]  }
0x2: {  	s1 =	rddreg [dreg:$0x1];
	s5 =	stileid.u32;
	s2 =	simm.s32 $0x0  }
0x3: {  	s4 =	srdreg.scid;
	s10 =	simm.s32 $0x800;
	s11 =	simm.s32 $0x1000  }
0x4: {  	s3 =	sshrl.u32 s5, $0x1;
	s4 =	sand.u32 $0x1, s4;
	s5 =	sshll.u32 s5, $0x1  }
0x5: {  	s3 =	smul.u32 $0x1800, s3;
	s24 =	ssub.s32 $0x2, s4;
	s4 =	sor.u32 s4, s5  }
0x6: {  	[smem:$0x7FF] =	sst s2;
	s6 =	sshll.u32 s4, $0x9;
	s4 =	smul.u32 $0x2400, s4  }
0x7: {  	_ =	strace $0x80000047;
	s3 =	sshrl.u32 s3, $0x3;
	s26 =	sand.u32 $0x600, s6  }
0x8: {  	s0 =	sadd.s32 s3, s0;
	[dreg:$0x3] =	wrdreg s26;
	s30 =	sadd.s32 s1, s4  }
.Ltmp0:
0x9: {  	s28 =	sadd.s32 $0x400, s0;
	[dreg:$0x7] =	wrdreg s30;
	(pc) =	sbr.rel .LBB2_1-.Ltmp0, $4  }
0xa: {  	s25 =	sshrl.u32 s24, $0x1;
	s29 =	sadd.s32 $0x500, s0;
	[dreg:$0x4] =	wrdreg s28  }
0xb: {  	s3 =	ssub.s32 s24, s25;
	s0 =	sadd.s32 $0x600, s0;
	[dreg:$0x5] =	wrdreg s29  }
0xc: {  	s12 =	simm.s32 $0x1800;
	s31 =	smax.u32 s3, $0x1;
	[dreg:$0x6] =	wrdreg s0  }
0xd: {  	v0 =	vlaneseq.u32;
	v1 =	vimm.s32 $0x0;
	s1 =	simm.s32 $0x1;
	s3 =	simm.s32 $0x0;
	[dreg:$0x8] =	wrdreg s31  }
.LBB2_11:
0xe: {  	s0 =	rddreg [dreg:$0x7];
	s1 =	simm.s32 $0x1  }
0xf: {  	[hbm4b:s0+s2] =	stream.linear.scatter [tilespmem:s12], [sflag:$0x1], $0x12000, $0x38;
	[tilespmem:$0x14880] =	vst v63  }
0x10: {  	_ =	swait.ge [sflag:s1], $0x12000  }
0x11: {  	s3 =	rddreg [dreg:$0x9]  }
0x12: {  	s31 =	rddreg [dreg:$0x8];
	s3 =	sadd.s32 $0x1, s3  }
0x13: {  	p0 =	sne.s32 s3, s31  }
.Ltmp1:
0x14: {  	_ = 	snop;
	(pc) =	sbr.rel @!p0 .LBB2_12-.Ltmp1, $3  }
0x15: {  	_ =	sdelay $0x1  }
0x16: {  	[sflag:s1] =	ssyncset.done $0x0  }
0x17: {  	[sflag:s1] =	ssyncadd.s32 $0xFFFEE000  }
.LBB2_1:
0x18: {  	[dreg:$0x9] =	wrdreg s3  }
0x19: {  	s0 =	rddreg [dreg:$0x4]  }
0x1a: {  	[tilespmem:s2], [sflag:$0x1] =	stream.linear.gather [hbm4b:s0+s2], $0x800, $0x38;
	[tilespmem:$0x14880] =	vst v63  }
0x1b: {  	_ =	swait.ge [sflag:s1], $0x800  }
0x1c: {  	[sflag:s1] =	ssyncset.done $0x0  }
0x1d: {  	s30 =	rddreg [dreg:$0x5];
	[sflag:s1] =	ssyncadd.s32 $0xFFFFF800  }
0x1e: {  	[tilespmem:s10], [sflag:$0x1] =	stream.linear.gather [hbm4b:s30+s2], $0x800, $0x38;
	[tilespmem:$0x14880] =	vst v63  }
0x1f: {  	_ =	swait.ge [sflag:s1], $0x800  }
0x20: {  	[sflag:s1] =	ssyncset.done $0x0  }
.Ltmp2:
0x21: {  	s31 =	rddreg [dreg:$0x6];
	[sflag:s1] =	ssyncadd.s32 $0xFFFFF800;
	(pc) =	sbr.rel .LBB2_2-.Ltmp2, $4  }
0x22: {  	[tilespmem:s11], [sflag:$0x1] =	stream.linear.gather [hbm4b:s31+s2], $0x800, $0x38;
	[tilespmem:$0x14880] =	vst v63  }
0x23: {  	_ =	swait.ge [sflag:s1], $0x800  }
0x24: {  	[sflag:s1] =	ssyncset.done $0x0  }
0x25: {  	s14 =	simm.s32 $0x0;
	[sflag:s1] =	ssyncadd.s32 $0xFFFFF800  }
.LBB2_10:
0x26: {  	s14 =	sadd.s32 $0x1, s14  }
0x27: {  	p0 =	sne.s32 s14, $0x100  }
.Ltmp3:
0x28: {  	_ = 	snop;
	(pc) =	sbr.rel @!p0 .LBB2_11-.Ltmp3, $1  }
0x29: {  	_ =	sdelay $0x3  }
.LBB2_2:
0x2a: {  	s0 =	sshll.u32 s14, $0x1;
	s1 =	rddreg [dreg:$0x3]  }
0x2b: {  	s0 =	sadd.s32 s1, s0  }
0x2c: {  	v6 =	vmov s0;
	_ =	sdelay $0x3  }
0x2d: {  	s24 =	simm.s32 $0x0  }
0x2e: {  	s16 =	smul.u32 $0x120, s14;
	v7 =	vld.idx.msk [tilespmem:v6+s24+$0x0], $0xffff  }
0x2f: {  	v8 =	vld.idx.msk [tilespmem:v6+s10+$0x0], $0xffff  }
0x30: {  	v9 =	vld.idx.msk [tilespmem:v6+s11+$0x0], $0xffff;
	[tilespmem:s16+$0x1800] =	vst v6  }
0x31: {  	[tilespmem:s16+$0x1810] =	vst v6  }
0x32: {  	[tilespmem:s16+$0x1820] =	vst v6  }
0x33: {  	s0 =	sor.u32 $0x1, s0;
	[tilespmem:s16+$0x1830] =	vst v6  }
0x34: {  	v2 =	vmov s0;
	[tilespmem:s16+$0x1840] =	vst v6  }
0x35: {  	[tilespmem:s16+$0x1850] =	vst v6  }
0x36: {  	[tilespmem:s16+$0x1860] =	vst v6  }
0x37: {  	s8 =	sand.u32 $0x1FFE0, s16;
	[tilespmem:s16+$0x1870] =	vst v6  }
0x38: {  	[tilespmem:s8+$0x1880] =	vst v6  }
0x39: {  	v3 =	vld.idx.msk [tilespmem:v2+s24+$0x0], $0xffff  }
0x3a: {  	v4 =	vld.idx.msk [tilespmem:v2+s10+$0x0], $0xffff  }
0x3b: {  	v5 =	vld.idx.msk [tilespmem:v2+s11+$0x0], $0xffff;
	[tilespmem:s16+$0x1890] =	vst v2  }
0x3c: {  	[tilespmem:s16+$0x18A0] =	vst v2  }
0x3d: {  	[tilespmem:s16+$0x18B0] =	vst v2  }
0x3e: {  	[tilespmem:s16+$0x18C0] =	vst v2  }
0x3f: {  	s9 =	sadd.s32 $0x100, s16;
	[tilespmem:s16+$0x18D0] =	vst v2  }
0x40: {  	s13 =	sand.u32 $0x60, s16;
	s1 =	sand.u32 $0x3FF80, s9;
	[tilespmem:s16+$0x18E0] =	vst v2  }
0x41: {  	s0 =	sor.u32 s13, s1;
	[tilespmem:s16+$0x18F0] =	vst v2  }
0x42: {  	[tilespmem:s0+$0x1800] =	vst v2  }
0x43: {  	s15 =	simm.s32 $0x1040;
	[dreg:$0xa] =	wrdreg s9;
	[tilespmem:s16+$0x1910] =	vst v2  }
0x44: {  	v10 =	vld [tilespmem:s15+$0x30]  }
0x45: {  	v11 =	vld [tilespmem:s15+$0x20]  }
0x46: {  	s25 =	simm.s32 $0x40;
	v12 =	vld [tilespmem:s15+$0x10]  }
0x47: {  	s26 =	simm.s32 $0x840;
	v13 =	vld [tilespmem:s25+$0x30]  }
0x48: {  	v14 =	vld [tilespmem:s26+$0x30]  }
0x49: {  	v16 =	vld [tilespmem:s15+$0x0]  }
0x4a: {  	v20 =	vld [tilespmem:s26+$0x20];
	v15 =	vsub.f32 v10, v9;
	v17 =	vsub.f32 v10, v5  }
0x4b: {  	v21 =	vld [tilespmem:s15+$0xFFFFFFF0];
	v18 =	vsub.f32 v11, v9;
	v19 =	vsub.f32 v12, v9  }
0x4c: {  	v23 =	vld [tilespmem:s25+$0x10];
	v11 =	vsub.f32 v11, v5;
	v12 =	vsub.f32 v12, v5  }
0x4d: {  	v26 =	vld [tilespmem:s26+$0x10];
	v22 =	vsub.f32 v13, v7;
	v24 =	vsub.f32 v14, v8  }
0x4e: {  	v27 =	vld [tilespmem:s15+$0xFFFFFFE0];
	v13 =	vsub.f32 v13, v3;
	v25 =	vsub.f32 v16, v9  }
0x4f: {  	v29 =	vld [tilespmem:s25+$0x0];
	v14 =	vsub.f32 v14, v4;
	v16 =	vsub.f32 v16, v5  }
0x50: {  	v33 =	vld [tilespmem:s15+$0xFFFFFFD0];
	v30 =	vsub.f32 v20, v8;
	v32 =	vsub.f32 v21, v9  }
0x51: {  	v35 =	vld [tilespmem:s25+$0xFFFFFFF0];
	v20 =	vsub.f32 v20, v4;
	v21 =	vsub.f32 v21, v5  }
0x52: {  	v38 =	vld [tilespmem:s26+$0xFFFFFFF0];
	v34 =	vsub.f32 v23, v7;
	v36 =	vsub.f32 v26, v8  }
0x53: {  	v23 =	vsub.f32 v23, v3;
	v37 =	vsub.f32 v27, v9  }
0x54: {  	v41 =	vld [tilespmem:s15+$0xFFFFFFC0];
	v26 =	vsub.f32 v26, v4;
	v27 =	vsub.f32 v27, v5  }
0x55: {  	v39 =	vsub.f32 v29, v7;
	v29 =	vsub.f32 v29, v3  }
0x56: {  	v45 =	vld [tilespmem:s25+$0xFFFFFFE0];
	v42 =	vsub.f32 v33, v9;
	v33 =	vsub.f32 v33, v5  }
0x57: {  	v47 =	vld [tilespmem:s26+$0xFFFFFFE0];
	v44 =	vsub.f32 v35, v7;
	v46 =	vsub.f32 v38, v8;
	v15 =	vmul.f32 v15, v15  }
0x58: {  	v35 =	vsub.f32 v35, v3;
	v17 =	vmul.f32 v17, v17;
	v18 =	vmul.f32 v18, v18  }
0x59: {  	v49 =	vsub.f32 v41, v9;
	v48 =	vmul.f32 v11, v11;
	v19 =	vmul.f32 v19, v19  }
0x5a: {  	v63 =	vld [tilespmem:s25+$0xFFFFFFD0];
	v11 =	vsub.f32 v38, v4;
	v38 =	vmul.f32 v12, v12;
	v12 =	vmul.f32 v22, v22  }
0x5b: {  	v50 =	vld [tilespmem:s26+$0xFFFFFFD0];
	v51 =	vsub.f32 v45, v7;
	v62 =	vmul.f32 v24, v24;
	v13 =	vmul.f32 v13, v13  }
0x5c: {  	v52 =	vsub.f32 v47, v8;
	v14 =	vmul.f32 v14, v14;
	v25 =	vmul.f32 v25, v25  }
0x5d: {  	v53 =	vld [tilespmem:s25+$0xFFFFFFC0];
	v45 =	vsub.f32 v45, v3;
	v16 =	vmul.f32 v16, v16;
	v30 =	vmul.f32 v30, v30  }
0x5e: {  	v54 =	vld [tilespmem:s26+$0xFFFFFFC0];
	v47 =	vsub.f32 v47, v4;
	v20 =	vmul.f32 v20, v20;
	v34 =	vmul.f32 v34, v34  }
0x5f: {  	v55 =	vsub.f32 v63, v7;
	v36 =	vmul.f32 v36, v36;
	v23 =	vmul.f32 v23, v23  }
0x60: {  	v56 =	vsub.f32 v50, v8;
	v26 =	vmul.f32 v26, v26;
	v39 =	vmul.f32 v39, v39  }
0x61: {  	v50 =	vsub.f32 v50, v4;
	v29 =	vmul.f32 v29, v29;
	v44 =	vmul.f32 v44, v44  }
0x62: {  	v57 =	vsub.f32 v53, v7;
	v46 =	vmul.f32 v46, v46;
	v35 =	vmul.f32 v35, v35  }
0x63: {  	v58 =	vsub.f32 v54, v8;
	v51 =	vmul.f32 v51, v51;
	v52 =	vmul.f32 v52, v52  }
0x64: {  	v53 =	vsub.f32 v53, v3;
	v45 =	vmul.f32 v45, v45;
	v47 =	vmul.f32 v47, v47  }
0x65: {  	v54 =	vsub.f32 v54, v4;
	v55 =	vmul.f32 v55, v55;
	v56 =	vmul.f32 v56, v56  }
0x66: {  	v24 =	vsub.f32 v41, v5;
	v59 =	vmul.f32 v57, v57;
	v61 =	vmul.f32 v58, v58  }
0x67: {  	v10 =	vld [tilespmem:s25+$0x20];
	v41 =	vsub.f32 v63, v3;
	v63 =	vmul.f32 v53, v53;
	v32 =	vmul.f32 v32, v32  }
0x68: {  	v21 =	vmul.f32 v21, v21;
	v12 =	vadd.f32 v62, v12;
	v13 =	vadd.f32 v14, v13  }
0x69: {  	v57 =	vmul.f32 v33, v33;
	v60 =	vadd.f32 v36, v34;
	v23 =	vadd.f32 v26, v23  }
0x6a: {  	v14 =	vmul.f32 v50, v50;
	v46 =	vadd.f32 v46, v44;
	v50 =	vadd.f32 v52, v51  }
0x6b: {  	v11 =	vmul.f32 v11, v11;
	v51 =	vadd.f32 v47, v45;
	v52 =	vadd.f32 v56, v55  }
0x6c: {  	v41 =	vmul.f32 v41, v41;
	v26 =	vadd.f32 v61, v59;
	v28 =	vsub.f32 v10, v7  }
0x6d: {  	v56 =	vmul.f32 v42, v42;
	v31 =	vsub.f32 v10, v3;
	v35 =	vadd.f32 v11, v35  }
0x6e: {  	v10 =	vld [tilespmem:s26+$0x0];
	v11 =	vmul.f32 v54, v54;
	v41 =	vadd.f32 v14, v41;
	v55 =	vadd.f32 v15, v12  }
0x6f: {  	v54 =	vmul.f32 v37, v37;
	v19 =	vadd.f32 v19, v60;
	v59 =	vadd.f32 v32, v46  }
0x70: {  	v60 =	vmul.f32 v24, v24;
	v28 =	vmul.f32 v28, v28;
	v53 =	vadd.f32 v11, v63  }
0x71: {  	v31 =	vmul.f32 v31, v31;
	v11 =	vadd.f32 v17, v13;
	v13 =	vadd.f32 v38, v23  }
0x72: {  	v17 =	vmul.f32 v27, v27;
	v15 =	vadd.f32 v21, v35;
	v61 =	vadd.f32 v54, v50  }
0x73: {  	vm0 =	vle.f32 v55, $9.000000350e-02;
	vm4 =	vle.f32 v19, $9.000000350e-02;
	v40 =	vsub.f32 v10, v8  }
0x74: {  	vm6 =	vle.f32 v59, $9.000000350e-02;
	v22 =	vadd.f32 v30, v28;
	v43 =	vsub.f32 v10, v4  }
0x75: {  	s18 =	sor.u32 $0x10, s16;
	v20 =	vadd.f32 v20, v31;
	v17 =	vadd.f32 v17, v51;
	v40 =	vmul.f32 v40, v40  }
0x76: {  	s17 =	simm.s32 $0x0;
	s19 =	sadd.s32 $0x20, s16;
	[dreg:$0x12] =	wrdreg s18;
	v21 =	vadd.f32 v60, v53;
	v18 =	vadd.f32 v18, v22;
	v43 =	vmul.f32 v43, v43  }
0x77: {  	s20 =	sadd.s32 $0x30, s16;
	[dreg:$0x13] =	wrdreg s19;
	v10 =	vor.u32 s17, v0;
	v12 =	vadd.f32 v48, v20;
	v62 =	vadd.f32 v40, v39  }
0x78: {  	s21 =	sadd.s32 $0x40, s16;
	[dreg:$0x14] =	wrdreg s20;
	vm1 =	vle.f32 v18, $9.000000350e-02;
	v18 =	vmpcnt.ones.xlane vm0;
	v29 =	vadd.f32 v43, v29  }
0x79: {  	s3 =	sadd.s32 $0x90, s16;
	[dreg:$0x15] =	wrdreg s21;
	vm7 =	vle.f32 v61, $9.000000350e-02;
	v20 =	vadd.f32 v56, v52;
	v58 =	vadd.f32 v25, v62  }
0x7a: {  	s22 =	sadd.s32 $0xA0, s16;
	[dreg:$0xb] =	wrdreg s3;
	v19 =	vmpcnt.ones.xlane vm1;
	(v2sf) =	vpush v18, $0x0;
	v14 =	vadd.f32 v16, v29  }
0x7b: {  	s23 =	sadd.s32 $0xB0, s16;
	[dreg:$0xc] =	wrdreg s22;
	v16 =	vmul.f32 v49, v49;
	v62 =	vmpcnt.ones.xlane vm4;
	vm5 =	vle.f32 v58, $9.000000350e-02  }
0x7c: {  	s28 =	sadd.s32 $0xC0, s16;
	[dreg:$0xd] =	wrdreg s23;
	v22 =	vadd.f32 v57, v41;
	(v2sf) =	vpush v19, $0x0;
	v18 =	vmpcnt.ones.xlane vm5  }
0x7d: {  	s29 =	sadd.s32 $0xD0, s16;
	[dreg:$0xe] =	wrdreg s28;
	v19 =	vmpcnt.ones.xlane vm6;
	v16 =	vadd.f32 v16, v26;
	(v2sf) =	vpush v62, $0x0  }
0x7e: {  	s30 =	sadd.s32 $0xE0, s16;
	[dreg:$0xf] =	wrdreg s29;
	v63 =	vmpcnt.ones.xlane vm7;
	vm8 =	vle.f32 v20, $9.000000350e-02;
	(v2sf) =	vpush v18, $0x0  }
0x7f: {  	s31 =	sadd.s32 $0xF0, s16;
	[dreg:$0x10] =	wrdreg s30;
	vm2 =	vle.f32 v16, $9.000000350e-02;
	v18 =	vmpcnt.ones.xlane vm8;
	(v2sf) =	vpush v19, $0x0  }
0x80: {  	s5 =	simm.s32 $0x70;
	s6 =	simm.s32 $0x0;
	[dreg:$0x11] =	wrdreg s31;
	vm3 =	vle.f32 v21, $9.000000350e-02;
	v19 =	vmpcnt.ones.xlane vm2;
	(v2sf) =	vpush v63, $0x0  }
0x81: {  	s7 =	simm.s32 $0x10C0;
	s4 =	sadd.s32 $0x70, s16;
	s9 =	simm.s32 $0x810;
	v16 =	vmpcnt.ones.xlane vm3;
	[tilespmem:s24+$0x13800] =	vst.msk vm2, v10;
	vm2 =	vle.f32 v22, $9.000000350e-02;
	(v2sf) =	vpush v18, $0x0  }
0x82: {  	s1 =	sadd.s32 $0x60, s16;
	s8 =	simm.s32 $0x70;
	s0 =	sadd.s32 $0x50, s16;
	[tilespmem:s9+$0x13800] =	vst.msk vm3, v10;
	vm3 =	vle.f32 v17, $9.000000350e-02;
	v10 =	vmpcnt.ones.xlane vm2;
	(v2sf) =	vpush v19, $0x0  }
.LBB2_3:
0x83: {  	v17 =	vld [tilespmem:s7+$0x30];
	v18 =	vmpcnt.ones.xlane vm3;
	vm9 =	vle.f32 v15, $9.000000350e-02;
	(v2sf) =	vpush v16, $0x0  }
0x84: {  	vm10 =	vle.f32 v14, $9.000000350e-02;
	v15 =	vmpcnt.ones.xlane vm9;
	(v2sf) =	vpush v10, $0x0  }
0x85: {  	vm11 =	vle.f32 v13, $9.000000350e-02;
	v14 =	vmpcnt.ones.xlane vm10;
	v10 =	vld [tilespmem:s7+$0x20];
	(v2sf) =	vpush v18, $0x0  }
0x86: {  	vm12 =	vle.f32 v12, $9.000000350e-02;
	s25 =	sadd.s32 $0x80, s25;
	v16 =	vmpcnt.ones.xlane vm11;
	v13 =	vld [tilespmem:s7+$0x10];
	(v2sf) =	vpush v15, $0x0  }
0x87: {  	vm13 =	vle.f32 v11, $9.000000350e-02;
	s26 =	sadd.s32 $0x80, s26;
	v15 =	vmpcnt.ones.xlane vm12;
	v12 =	vld [tilespmem:s25+$0x30];
	(v2sf) =	vpush v14, $0x0  }
0x88: {  	v14 =	vmpcnt.ones.xlane vm13;
	v11 =	vld [tilespmem:s26+$0x30];
	v18 =	vsub.f32 v17, v9;
	(v2sf) =	vpush v16, $0x0  }
0x89: {  	v17 =	vsub.f32 v17, v5;
	v16 =	vld [tilespmem:s7+$0x0];
	(v2sf) =	vpush v15, $0x0  }
0x8a: {  	v15 =	vld [tilespmem:s25+$0x20];
	v19 =	vsub.f32 v10, v9;
	s13 =	spop (v2sf);
	(v2sf) =	vpush v14, $0x0  }
0x8b: {  	v21 =	vsub.f32 v10, v5;
	v20 =	vsub.f32 v13, v9;
	v14 =	vld [tilespmem:s26+$0x20];
	s3 =	spop (v2sf)  }
0x8c: {  	v23 =	vsub.f32 v13, v5;
	v22 =	vld [tilespmem:s7+$0xFFFFFFF0];
	v24 =	vsub.f32 v12, v7;
	s18 =	spop (v2sf)  }
0x8d: {  	v26 =	vsub.f32 v12, v3;
	v13 =	vld [tilespmem:s25+$0x10];
	v25 =	vsub.f32 v11, v8;
	s20 =	spop (v2sf)  }
0x8e: {  	s5 =	sadd.s32 $0x80, s5;
	v29 =	vsub.f32 v11, v4;
	v27 =	vsub.f32 v16, v9;
	v28 =	vld [tilespmem:s26+$0x10];
	s22 =	spop (v2sf)  }
0x8f: {  	s17 =	sadd.s32 $0xFFFFFF90, s5;
	v31 =	vsub.f32 v16, v5;
	v30 =	vld [tilespmem:s7+$0xFFFFFFE0];
	v32 =	vsub.f32 v15, v7;
	s21 =	spop (v2sf)  }
0x90: {  	s19 =	sadd.s32 $0xFFFFFFA0, s8;
	s23 =	sadd.s32 $0xFFFFFFB0, s8;
	v34 =	vsub.f32 v15, v3;
	v16 =	vld [tilespmem:s25+$0x0];
	v33 =	vsub.f32 v14, v8;
	s15 =	spop (v2sf)  }
0x91: {  	s28 =	sadd.s32 $0xFFFFFFC0, s8;
	s29 =	sadd.s32 $0xFFFFFFD0, s8;
	v37 =	vor.u32 s8, v0;
	v36 =	vsub.f32 v14, v4;
	v11 =	vsub.f32 v22, v9;
	v35 =	vld [tilespmem:s26+$0x0];
	s30 =	spop (v2sf)  }
0x92: {  	s31 =	sadd.s32 $0xFFFFFFE0, s8;
	s8 =	sadd.s32 $0xFFFFFFF0, s8;
	v10 =	vor.u32 s17, v0;
	v12 =	vsub.f32 v22, v5;
	v38 =	vld [tilespmem:s7+$0xFFFFFFD0];
	v22 =	vsub.f32 v13, v7;
	s17 =	spop (v2sf)  }
0x93: {  	v42 =	vor.u32 s19, v0;
	v41 =	vsub.f32 v13, v3;
	s24 =	sadd.s32 s24, s30;
	v39 =	vld [tilespmem:s25+$0xFFFFFFF0];
	v40 =	vsub.f32 v28, v8;
	s17 =	sadd.s32 s9, s17;
	s9 =	spop (v2sf)  }
0x94: {  	v44 =	vor.u32 s23, v0;
	v28 =	vsub.f32 v28, v4;
	s15 =	sadd.s32 s24, s15;
	v13 =	vsub.f32 v30, v9;
	v43 =	vld [tilespmem:s26+$0xFFFFFFF0];
	[tilespmem:s24+$0x13800] =	vst.msk vm8, v42;
	s19 =	sadd.s32 s17, s9;
	s9 =	spop (v2sf)  }
0x95: {  	v45 =	vor.u32 s28, v0;
	v14 =	vsub.f32 v30, v5;
	v30 =	vsub.f32 v16, v7;
	[tilespmem:s15+$0x13800] =	vst.msk vm7, v44;
	s15 =	sadd.s32 s15, s21;
	s21 =	sadd.s32 s19, s9;
	s9 =	spop (v2sf)  }
0x96: {  	v48 =	vor.u32 s29, v0;
	v47 =	vsub.f32 v16, v3;
	v46 =	vsub.f32 v35, v8;
	[tilespmem:s15+$0x13800] =	vst.msk vm6, v45;
	s15 =	sadd.s32 s15, s22;
	s22 =	sadd.s32 s21, s9;
	s9 =	spop (v2sf)  }
0x97: {  	v50 =	vor.u32 s31, v0;
	v35 =	vsub.f32 v35, v4;
	v49 =	vld [tilespmem:s7+$0xFFFFFFC0];
	v15 =	vsub.f32 v38, v9;
	[tilespmem:s15+$0x13800] =	vst.msk vm5, v48;
	s15 =	sadd.s32 s15, s20;
	s20 =	sadd.s32 s22, s9;
	s9 =	spop (v2sf)  }
0x98: {  	v51 =	vor.u32 s8, v0;
	v16 =	vsub.f32 v38, v5;
	v38 =	vsub.f32 v39, v7;
	[tilespmem:s15+$0x13800] =	vst.msk vm4, v50;
	s15 =	sadd.s32 s15, s18;
	s18 =	sadd.s32 s20, s9;
	s8 =	spop (v2sf)  }
0x99: {  	v18 =	vmul.f32 v18, v18;
	v17 =	vmul.f32 v17, v17;
	v52 =	vld [tilespmem:s25+$0xFFFFFFE0];
	v53 =	vsub.f32 v43, v8;
	[tilespmem:s15+$0x13800] =	vst.msk vm1, v51;
	s3 =	sadd.s32 s15, s3;
	s15 =	sadd.s32 s18, s8;
	s8 =	spop (v2sf)  }
0x9a: {  	v19 =	vmul.f32 v19, v19;
	v21 =	vmul.f32 v21, v21;
	v39 =	vsub.f32 v39, v3;
	v54 =	vld [tilespmem:s26+$0xFFFFFFE0];
	[tilespmem:s3+$0x13800] =	vst.msk vm0, v37;
	s24 =	sadd.s32 s3, s13;
	s9 =	sadd.s32 s15, s8;
	s8 =	smov.u32 s5  }
0x9b: {  	v20 =	vmul.f32 v20, v20;
	v23 =	vmul.f32 v23, v23;
	v43 =	vsub.f32 v43, v4;
	[tilespmem:s15+$0x13800] =	vst.msk vm13, v37  }
0x9c: {  	v24 =	vmul.f32 v24, v24;
	v25 =	vmul.f32 v25, v25;
	v37 =	vsub.f32 v49, v9;
	[tilespmem:s18+$0x13800] =	vst.msk vm12, v51  }
0x9d: {  	v26 =	vmul.f32 v26, v26;
	v29 =	vmul.f32 v29, v29;
	v49 =	vsub.f32 v49, v5;
	v51 =	vld [tilespmem:s25+$0xFFFFFFD0];
	[tilespmem:s20+$0x13800] =	vst.msk vm11, v50  }
0x9e: {  	v27 =	vmul.f32 v27, v27;
	v31 =	vmul.f32 v31, v31;
	v50 =	vld [tilespmem:s26+$0xFFFFFFD0];
	v55 =	vsub.f32 v52, v7;
	[tilespmem:s22+$0x13800] =	vst.msk vm10, v48  }
0x9f: {  	v32 =	vmul.f32 v32, v32;
	v33 =	vmul.f32 v33, v33;
	v48 =	vsub.f32 v54, v8;
	[tilespmem:s21+$0x13800] =	vst.msk vm9, v45  }
0xa0: {  	v34 =	vmul.f32 v34, v34;
	v36 =	vmul.f32 v36, v36;
	v45 =	vsub.f32 v52, v3;
	[tilespmem:s19+$0x13800] =	vst.msk vm3, v44  }
0xa1: {  	v22 =	vmul.f32 v22, v22;
	v40 =	vmul.f32 v40, v40;
	v52 =	vsub.f32 v54, v4;
	v44 =	vld [tilespmem:s25+$0xFFFFFFC0];
	[tilespmem:s17+$0x13800] =	vst.msk vm2, v42  }
0xa2: {  	v41 =	vmul.f32 v41, v41;
	v28 =	vmul.f32 v28, v28;
	v42 =	vld [tilespmem:s26+$0xFFFFFFC0];
	v54 =	vsub.f32 v51, v7  }
0xa3: {  	v30 =	vmul.f32 v30, v30;
	v46 =	vmul.f32 v46, v46;
	v56 =	vsub.f32 v50, v8  }
0xa4: {  	v47 =	vmul.f32 v47, v47;
	v35 =	vmul.f32 v35, v35;
	v51 =	vsub.f32 v51, v3  }
0xa5: {  	v38 =	vmul.f32 v38, v38;
	v53 =	vmul.f32 v53, v53;
	v50 =	vsub.f32 v50, v4  }
0xa6: {  	v39 =	vmul.f32 v39, v39;
	v43 =	vmul.f32 v43, v43;
	v57 =	vsub.f32 v44, v7  }
0xa7: {  	v55 =	vmul.f32 v55, v55;
	v48 =	vmul.f32 v48, v48;
	v58 =	vsub.f32 v42, v8  }
0xa8: {  	v45 =	vmul.f32 v45, v45;
	v52 =	vmul.f32 v52, v52;
	v44 =	vsub.f32 v44, v3  }
0xa9: {  	v54 =	vmul.f32 v54, v54;
	v56 =	vmul.f32 v56, v56;
	v42 =	vsub.f32 v42, v4  }
0xaa: {  	v24 =	vadd.f32 v25, v24;
	v25 =	vadd.f32 v29, v26;
	v51 =	vmul.f32 v51, v51  }
0xab: {  	v29 =	vadd.f32 v33, v32;
	v32 =	vadd.f32 v36, v34;
	v26 =	vmul.f32 v50, v50  }
0xac: {  	v22 =	vadd.f32 v40, v22;
	v28 =	vadd.f32 v28, v41;
	v33 =	vmul.f32 v57, v57  }
0xad: {  	v30 =	vadd.f32 v46, v30;
	v35 =	vadd.f32 v35, v47;
	v34 =	vmul.f32 v58, v58  }
0xae: {  	v38 =	vadd.f32 v53, v38;
	v39 =	vadd.f32 v43, v39;
	v36 =	vmul.f32 v44, v44  }
0xaf: {  	v41 =	vadd.f32 v48, v55;
	v40 =	vmul.f32 v42, v42;
	v42 =	vadd.f32 v52, v45  }
0xb0: {  	v43 =	vadd.f32 v56, v54;
	v26 =	vadd.f32 v26, v51;
	v44 =	vmul.f32 v11, v11  }
0xb1: {  	v33 =	vadd.f32 v34, v33;
	v34 =	vadd.f32 v40, v36;
	v36 =	vmul.f32 v12, v12  }
0xb2: {  	v18 =	vadd.f32 v18, v24;
	v11 =	vadd.f32 v17, v25;
	v40 =	vmul.f32 v13, v13  }
0xb3: {  	s6 =	sadd.s32 $0x8, s6;
	v19 =	vadd.f32 v19, v29;
	v17 =	vmul.f32 v14, v14;
	v12 =	vadd.f32 v21, v32  }
0xb4: {  	p0 =	slt.u32 s6, $0x78;
	v20 =	vadd.f32 v20, v22;
	v21 =	vmul.f32 v15, v15;
	v13 =	vadd.f32 v23, v28  }
0xb5: {  	v16 =	vmul.f32 v16, v16;
	v22 =	vadd.f32 v27, v30;
	v14 =	vadd.f32 v31, v35  }
0xb6: {  	v24 =	vadd.f32 v44, v38;
	v23 =	vmul.f32 v37, v37;
	v15 =	vadd.f32 v36, v39  }
0xb7: {  	v25 =	vmul.f32 v49, v49;
	v17 =	vadd.f32 v17, v42;
	v27 =	vadd.f32 v40, v41  }
0xb8: {  	vm0 =	vle.f32 v18, $9.000000350e-02;
	v26 =	vadd.f32 v16, v26;
	v21 =	vadd.f32 v21, v43  }
0xb9: {  	vm1 =	vle.f32 v19, $9.000000350e-02;
	v18 =	vmpcnt.ones.xlane vm0;
	v16 =	vadd.f32 v23, v33  }
0xba: {  	vm4 =	vle.f32 v20, $9.000000350e-02;
	v20 =	vmpcnt.ones.xlane vm1;
	v19 =	vadd.f32 v25, v34  }
0xbb: {  	vm5 =	vle.f32 v22, $9.000000350e-02;
	v22 =	vmpcnt.ones.xlane vm4;
	(v2sf) =	vpush v18, $0x0  }
0xbc: {  	vm6 =	vle.f32 v24, $9.000000350e-02;
	v18 =	vmpcnt.ones.xlane vm5;
	(v2sf) =	vpush v20, $0x0  }
0xbd: {  	vm7 =	vle.f32 v27, $9.000000350e-02;
	v20 =	vmpcnt.ones.xlane vm6;
	(v2sf) =	vpush v22, $0x0  }
.Ltmp4:
0xbe: {  	vm8 =	vle.f32 v21, $9.000000350e-02;
	v21 =	vmpcnt.ones.xlane vm7;
	(v2sf) =	vpush v18, $0x0;
	(pc) =	sbr.rel @p0 .LBB2_3-.Ltmp4, $4  }
0xbf: {  	vm2 =	vle.f32 v16, $9.000000350e-02;
	v18 =	vmpcnt.ones.xlane vm8;
	(v2sf) =	vpush v20, $0x0  }
0xc0: {  	v20 =	vmpcnt.ones.xlane vm2;
	[tilespmem:s24+$0x13800] =	vst.msk vm2, v10;
	vm2 =	vle.f32 v19, $9.000000350e-02;
	(v2sf) =	vpush v21, $0x0  }
0xc1: {  	[tilespmem:s9+$0x13800] =	vst.msk vm2, v10;
	v16 =	vmpcnt.ones.xlane vm2;
	vm2 =	vle.f32 v26, $9.000000350e-02;
	(v2sf) =	vpush v18, $0x0  }
0xc2: {  	s7 =	sadd.s32 $0x80, s7;
	vm3 =	vle.f32 v17, $9.000000350e-02;
	v10 =	vmpcnt.ones.xlane vm2;
	(v2sf) =	vpush v20, $0x0  }
0xc3: {  	_ =	sdelay $0x6  }
0xc4: {  	v17 =	vmpcnt.ones.xlane vm3;
	(v2sf) =	vpush v16, $0x0;
	s3 =	spop (v2sf)  }
0xc5: {  	(v2sf) =	vpush v10, $0x0;
	s5 =	spop (v2sf)  }
0xc6: {  	(v2sf) =	vpush v17, $0x0;
	s6 =	spop (v2sf)  }
0xc7: {  	s7 =	spop (v2sf)  }
0xc8: {  	s13 =	spop (v2sf)  }
0xc9: {  	vm9 =	vle.f32 v15, $9.000000350e-02;
	s15 =	spop (v2sf)  }
0xca: {  	vm10 =	vle.f32 v14, $9.000000350e-02;
	v15 =	vmpcnt.ones.xlane vm9;
	s17 =	spop (v2sf)  }
0xcb: {  	vm11 =	vle.f32 v13, $9.000000350e-02;
	v10 =	vmpcnt.ones.xlane vm10;
	s19 =	spop (v2sf)  }
0xcc: {  	vm12 =	vle.f32 v12, $9.000000350e-02;
	v13 =	vmpcnt.ones.xlane vm11;
	(v2sf) =	vpush v15, $0x0;
	s19 =	sadd.s32 s24, s19  }
0xcd: {  	vm13 =	vle.f32 v11, $9.000000350e-02;
	v12 =	vmpcnt.ones.xlane vm12;
	(v2sf) =	vpush v10, $0x0;
	s17 =	sadd.s32 s19, s17  }
0xce: {  	v10 =	vmpcnt.ones.xlane vm13;
	(v2sf) =	vpush v13, $0x0;
	s15 =	sadd.s32 s17, s15  }
0xcf: {  	(v2sf) =	vpush v12, $0x0;
	s13 =	sadd.s32 s15, s13  }
0xd0: {  	(v2sf) =	vpush v10, $0x0;
	s7 =	sadd.s32 s13, s7  }
0xd1: {  	s18 =	sadd.s32 $0xFFFFFFA0, s8;
	s20 =	sadd.s32 $0xFFFFFFB0, s8;
	s6 =	sadd.s32 s7, s6  }
0xd2: {  	s21 =	sadd.s32 $0xFFFFFFC0, s8;
	s22 =	sadd.s32 $0xFFFFFFD0, s8;
	v10 =	vor.u32 s18, v0;
	s5 =	sadd.s32 s6, s5  }
0xd3: {  	s28 =	sadd.s32 $0xFFFFFFF0, s8;
	v11 =	vor.u32 s20, v0;
	s25 =	spop (v2sf);
	[tilespmem:s19+$0x13800] =	vst.msk vm8, v10;
	s3 =	sadd.s32 s5, s3  }
0xd4: {  	s9 =	sadd.s32 s9, s25;
	s29 =	spop (v2sf);
	[tilespmem:s17+$0x13800] =	vst.msk vm7, v11;
	s26 =	sadd.s32 $0xF, s3  }
0xd5: {  	v59 =	vor.u32 s21, v0;
	v62 =	vor.u32 s28, v0;
	s18 =	sadd.s32 s9, s29;
	s30 =	spop (v2sf);
	[tilespmem:s9+$0x13800] =	vst.msk vm2, v10;
	s28 =	sand.u32 $0xF, s26  }
0xd6: {  	[tilespmem:s15+$0x13800] =	vst.msk vm6, v59;
	s29 =	sshra.s32 s26, $0x1F;
	p0 =	slt.s32 s26, $0x1;
	p1 =	sne.s32 s28, $0x0  }
0xd7: {  	v63 =	vor.u32 s8, v0;
	s17 =	sadd.s32 s18, s30;
	[tilespmem:s6+$0x13800] =	vst.msk vm1, v62;
	s30 =	sshrl.u32 s29, $0x1C;
	p0 =	por !p0, !p1  }
0xd8: {  	s6 =	simm.s32 $0x1;
	[tilespmem:s5+$0x13800] =	vst.msk vm0, v63;
	s5 =	sadd.s32 s30, s26;
	p0 =	por !p0, !p0  }
0xd9: {  	v60 =	vor.u32 s22, v0;
	[tilespmem:s18+$0x13800] =	vst.msk vm3, v11;
	s5 =	sshra.s32 s5, $0x4;
	s6 =	simm.s32 @!p0 $0x0  }
0xda: {  	s23 =	sadd.s32 $0xFFFFFFE0, s8;
	[tilespmem:s13+$0x13800] =	vst.msk vm5, v60;
	s6 =	ssub.s32 s5, s6  }
0xdb: {  	v61 =	vor.u32 s23, v0;
	s31 =	spop (v2sf);
	[tilespmem:s17+$0x13800] =	vst.msk vm9, v59;
	p0 =	slt.s32 s6, $0x1  }
.Ltmp5:
0xdc: {  	s20 =	sadd.s32 s17, s31;
	s21 =	spop (v2sf);
	[tilespmem:s7+$0x13800] =	vst.msk vm4, v61;
	(pc) =	sbr.rel @p0 .LBB2_7-.Ltmp5, $4  }
0xdd: {  	s22 =	sadd.s32 s20, s21;
	s23 =	spop (v2sf);
	[tilespmem:s20+$0x13800] =	vst.msk vm10, v60  }
0xde: {  	s24 =	sadd.s32 s22, s23;
	[tilespmem:s22+$0x13800] =	vst.msk vm11, v61;
	s25 =	spop (v2sf)  }
0xdf: {  	[tilespmem:s24+$0x13800] =	vst.msk vm12, v62;
	s8 =	sadd.s32 s24, s25;
	s31 =	spop (v2sf)  }
0xe0: {  	[tilespmem:s8+$0x13800] =	vst.msk vm13, v63;
	s5 =	sadd.s32 s8, s31  }
0xe1: {  	v10 =	vmov s3;
	v11 =	vmov s16  }
0xe2: {  	s28 =	rddreg [dreg:$0x12];
	v16 =	vmov s0;
	v17 =	vmov s1;
	v18 =	vmov s4  }
0xe3: {  	s29 =	rddreg [dreg:$0x13];
	v19 =	vimm.s32 $0x0;
	v20 =	vimm.s32 $0x0;
	v21 =	vimm.s32 $0x0  }
0xe4: {  	s30 =	rddreg [dreg:$0x14];
	v22 =	vimm.s32 $0x0;
	v23 =	vimm.s32 $0x0;
	v24 =	vimm.s32 $0x0  }
0xe5: {  	s31 =	rddreg [dreg:$0x15];
	v25 =	vimm.s32 $0x0;
	v26 =	vimm.s32 $0x0;
	v12 =	vmov s28  }
0xe6: {  	s0 =	simm.s32 $0x13800;
	s1 =	simm.s32 $0x0;
	v13 =	vmov s29;
	v14 =	vmov s30;
	v15 =	vmov s31  }
.LBB2_6:
0xe7: {  	v27 =	vld [tilespmem:s0+$0x0];
	_ =	sdelay $0x3  }
0xe8: {  	v28 =	vor.u32 s1, v0  }
0xe9: {  	vm0 =	vlt.s32 v28, v10;
	vm1 =	vne.s32 v27, v6  }
0xea: {  	vm7 =	vmand vm0, vm1;
	_ =	sdelay $0x5  }
0xeb: {  	v39 =	vld.idx.msk [tilespmem:v27+s2+$0x0], vm7  }
0xec: {  	v29 =	vld.idx.msk [tilespmem:v27+s10+$0x0], vm7  }
0xed: {  	v30 =	vld.idx.msk [tilespmem:v27+s11+$0x0], vm7;
	_ =	sdelay $0x3  }
0xee: {  	vm5 =	vgt.f32 v39, v7;
	vm6 =	vgt.f32 v29, v8  }
0xef: {  	vm8 =	vgt.f32 v30, v9;
	v28 =	vsel vm5, $0x4, v1;
	v29 =	vsel vm6, $0x2, v1  }
0xf0: {  	v40 =	vsel vm8, $0x1, v1;
	v28 =	vor.u32 v28, v29  }
0xf1: {  	v28 =	vor.u32 v40, v28  }
0xf2: {  	vm9 =	veq.s32 v28, $0x0  }
0xf3: {  	vm5 =	vmand vm7, vm9  }
0xf4: {  	v41 =	vsel vm5, $0x1, v1  }
0xf5: {  	(xrf0) =	vadd.scan.msk.s32 $0xffff, v41;
	_ =	sdelay $0x2  }
0xf6: {  	vm10 =	veq.s32 v28, $0x1  }
0xf7: {  	vm0 =	vmand vm7, vm10  }
0xf8: {  	vm11 =	veq.s32 v28, $0x2;
	v42 =	vsel vm0, $0x1, v1  }
0xf9: {  	vm1 =	vmand vm7, vm11;
	(xrf0) =	vadd.scan.msk.s32 $0xffff, v42;
	v43, _, _ =	vpop (xrf0)  }
0xfa: {  	vm2 =	veq.s32 v28, $0x3;
	v45 =	vsel vm1, $0x1, v1;
	v44 =	vadd.s32 v43, v26  }
0xfb: {  	vm2 =	vmand vm7, vm2;
	(xrf0) =	vadd.scan.msk.s32 $0xffff, v45;
	v29 =	vadd.s32 $0xFFFFFFFF, v44  }
0xfc: {  	vm6 =	veq.s32 v28, $0x4;
	v46 =	vsel vm2, $0x1, v1;
	vm3 =	vlt.s32 v29, $0x10  }
0xfd: {  	(xrf0) =	vadd.scan.msk.s32 $0xffff, v46;
	vm4 =	vmand vm5, vm3;
	vm3 =	vmand vm7, vm6  }
0xfe: {  	v47 =	vsel vm3, $0x1, v1  }
0xff: {  	vm12 =	veq.s32 v28, $0x5;
	vm13 =	veq.s32 v28, $0x6;
	vm9 =	veq.s32 v28, $0x7;
	v31, _, _ =	vpop (xrf0);
	(xrf0) =	vadd.scan.msk.s32 $0xffff, v47  }
0x100: {  	v48 =	vmpcnt.ones.xlane vm5;
	v31 =	vadd.s32 v31, v25;
	vm5 =	vmand vm7, vm12  }
0x101: {  	v49, _, _ =	vpop (xrf0);
	v31 =	vadd.s32 $0xFFFFFFFF, v31;
	vm6 =	vmand vm7, vm13;
	v32 =	vsel vm5, $0x1, v1  }
0x102: {  	v28 =	vadd.s32 v49, v24;
	vm8 =	vlt.s32 v31, $0x10;
	v50 =	vsel vm6, $0x1, v1;
	(xrf0) =	vadd.scan.msk.s32 $0xffff, v32  }
0x103: {  	vm7 =	vmand vm7, vm9;
	v28 =	vadd.s32 $0xFFFFFFFF, v28;
	v29 =	vnsel vm4, $0x0, v29;
	v33, _, _ =	vpop (xrf0);
	(xrf0) =	vadd.scan.msk.s32 $0xffff, v50  }
0x104: {  	vm8 =	vmand vm0, vm8;
	v51 =	vsel vm7, $0x1, v1;
	v33 =	vadd.s32 v33, v23  }
0x105: {  	vm14 =	vlt.s32 v28, $0x10;
	v29 =	vadd.s32 v11, v29;
	v52 =	vadd.s32 $0xFFFFFFFF, v33;
	v34, _, _ =	vpop (xrf0);
	(xrf0) =	vadd.scan.msk.s32 $0xffff, v51  }
0x106: {  	v31 =	vnsel vm8, $0x0, v31;
	vm9 =	vmand vm1, vm14;
	vm10 =	vlt.s32 v52, $0x10  }
0x107: {  	v31 =	vadd.s32 v12, v31;
	v28 =	vnsel vm9, $0x0, v28;
	vm10 =	vmand vm2, vm10  }
0x108: {  	v28 =	vadd.s32 v13, v28;
	v32 =	vnsel vm10, $0x0, v52;
	v53 =	vadd.s32 v34, v22;
	v54, _, _ =	vpop (xrf0)  }
0x109: {  	v32 =	vadd.s32 v14, v32;
	v33 =	vadd.s32 $0xFFFFFFFF, v53;
	v35, _, _ =	vpop (xrf0);
	v34 =	vadd.s32 v54, v21  }
0x10a: {  	vm11 =	vlt.s32 v33, $0x10;
	v34 =	vadd.s32 $0xFFFFFFFF, v34;
	v35 =	vadd.s32 v35, v20  }
0x10b: {  	vm11 =	vmand vm3, vm11;
	vm12 =	vlt.s32 v34, $0x10;
	v35 =	vadd.s32 $0xFFFFFFFF, v35;
	v36, _, _ =	vpop (xrf0)  }
0x10c: {  	v33 =	vnsel vm11, $0x0, v33;
	vm12 =	vmand vm5, vm12;
	v36 =	vadd.s32 v36, v19  }
0x10d: {  	vm13 =	vlt.s32 v35, $0x10;
	v33 =	vadd.s32 v15, v33;
	v36 =	vadd.s32 $0xFFFFFFFF, v36  }
0x10e: {  	v34 =	vnsel vm12, $0x0, v34;
	vm13 =	vmand vm6, vm13;
	vm14 =	vlt.s32 v36, $0x10  }
0x10f: {  	[tilespmem:v29+s12+$0x0] =	vst.idx.msk vm4, v27;
	v55 =	vadd.s32 v16, v34;
	v56 =	vnsel vm13, $0x0, v35;
	vm15 =	vmand vm7, vm14  }
0x110: {  	v57 =	vmpcnt.ones.xlane vm0;
	[tilespmem:v31+s12+$0x0] =	vst.idx.msk vm8, v27;
	v34 =	vadd.s32 v17, v56;
	v58 =	vnsel vm15, $0x0, v36  }
0x111: {  	p0 =	sne.s32 s6, $0x1;
	v59 =	vmpcnt.ones.xlane vm1;
	[tilespmem:v28+s12+$0x0] =	vst.idx.msk vm9, v27;
	v35 =	vadd.s32 v18, v58  }
.Ltmp6:
0x112: {  	v60 =	vmpcnt.ones.xlane vm2;
	v26 =	vadd.s32 v26, v48;
	v25 =	vadd.s32 v25, v57;
	[tilespmem:v32+s12+$0x0] =	vst.idx.msk vm10, v27;
	(pc) =	sbr.rel @p0 .LBB2_6-.Ltmp6, $4  }
0x113: {  	v24 =	vadd.s32 v24, v59;
	v61 =	vmpcnt.ones.xlane vm3;
	v37 =	vmpcnt.ones.xlane vm5;
	[tilespmem:v33+s12+$0x0] =	vst.idx.msk vm11, v27  }
0x114: {  	v62 =	vmpcnt.ones.xlane vm6;
	v63 =	vmpcnt.ones.xlane vm7;
	v23 =	vadd.s32 v23, v60;
	[tilespmem:v55+s12+$0x0] =	vst.idx.msk vm12, v27  }
0x115: {  	v22 =	vadd.s32 v22, v61;
	v21 =	vadd.s32 v21, v37;
	[tilespmem:v34+s12+$0x0] =	vst.idx.msk vm13, v27  }
0x116: {  	s0 =	sadd.s32 $0x10, s0;
	s1 =	sadd.s32 $0x10, s1;
	s6 =	sadd.s32 $0xFFFFFFFF, s6;
	v20 =	vadd.s32 v20, v62;
	v19 =	vadd.s32 v19, v63;
	[tilespmem:v35+s12+$0x0] =	vst.idx.msk vm15, v27  }
.LBB2_7:
0x117: {  	s0 =	sadd.s32 $0xFFFFF7FF, s5  }
0x118: {  	s1 =	sand.u32 $0xF, s0  }
0x119: {  	s3 =	sshra.s32 s0, $0x1F;
	p0 =	slt.s32 s0, $0x1;
	p1 =	sne.s32 s1, $0x0  }
0x11a: {  	s31 =	sshrl.u32 s3, $0x1C;
	p0 =	por !p0, !p1  }
0x11b: {  	s1 =	simm.s32 $0x1;
	s0 =	sadd.s32 s31, s0;
	p0 =	por !p0, !p0  }
0x11c: {  	s0 =	sshra.s32 s0, $0x4;
	s1 =	simm.s32 @!p0 $0x0  }
0x11d: {  	s0 =	ssub.s32 s0, s1  }
0x11e: {  	p0 =	slt.s32 s0, $0x1  }
.Ltmp7:
0x11f: {  	_ = 	snop;
	(pc) =	sbr.rel @p0 .LBB2_10-.Ltmp7, $1  }
0x120: {  	_ =	sdelay $0x3  }
0x121: {  	s1 =	rddreg [dreg:$0xb]  }
0x122: {  	s24 =	rddreg [dreg:$0xc]  }
0x123: {  	s25 =	rddreg [dreg:$0xd]  }
0x124: {  	v6 =	vmov s5;
	s26 =	rddreg [dreg:$0xe];
	v15 =	vimm.s32 $0x0  }
0x125: {  	s28 =	rddreg [dreg:$0xf];
	v16 =	vimm.s32 $0x0;
	v17 =	vimm.s32 $0x0;
	v18 =	vimm.s32 $0x0  }
0x126: {  	s29 =	rddreg [dreg:$0x10];
	v19 =	vimm.s32 $0x0;
	v20 =	vimm.s32 $0x0;
	v21 =	vimm.s32 $0x0  }
0x127: {  	s30 =	rddreg [dreg:$0x11];
	v22 =	vimm.s32 $0x0;
	v7 =	vmov s1;
	v8 =	vmov s24  }
0x128: {  	s31 =	rddreg [dreg:$0xa];
	v9 =	vmov s25;
	v10 =	vmov s26;
	v11 =	vmov s28  }
0x129: {  	s4 =	simm.s32 $0x810;
	v12 =	vmov s29;
	v13 =	vmov s30;
	v14 =	vmov s31;
	s1 =	simm.s32 $0x14010  }
.LBB2_9:
0x12a: {  	v23 =	vld [tilespmem:s1+$0x0];
	_ =	sdelay $0x3  }
0x12b: {  	v24 =	vor.u32 s4, v0  }
0x12c: {  	vm0 =	vlt.s32 v24, v6;
	vm1 =	vne.s32 v23, v2  }
0x12d: {  	vm7 =	vmand vm0, vm1;
	_ =	sdelay $0x5  }
0x12e: {  	v39 =	vld.idx.msk [tilespmem:v23+s2+$0x0], vm7  }
0x12f: {  	v25 =	vld.idx.msk [tilespmem:v23+s10+$0x0], vm7  }
0x130: {  	v26 =	vld.idx.msk [tilespmem:v23+s11+$0x0], vm7;
	_ =	sdelay $0x3  }
0x131: {  	vm5 =	vgt.f32 v39, v3;
	vm6 =	vgt.f32 v25, v4  }
0x132: {  	vm8 =	vgt.f32 v26, v5;
	v24 =	vsel vm5, $0x4, v1;
	v25 =	vsel vm6, $0x2, v1  }
0x133: {  	v40 =	vsel vm8, $0x1, v1;
	v24 =	vor.u32 v24, v25  }
0x134: {  	v24 =	vor.u32 v40, v24  }
0x135: {  	vm9 =	veq.s32 v24, $0x0  }
0x136: {  	vm5 =	vmand vm7, vm9  }
0x137: {  	v41 =	vsel vm5, $0x1, v1  }
0x138: {  	(xrf0) =	vadd.scan.msk.s32 $0xffff, v41;
	_ =	sdelay $0x2  }
0x139: {  	vm10 =	veq.s32 v24, $0x1  }
0x13a: {  	vm0 =	vmand vm7, vm10  }
0x13b: {  	vm11 =	veq.s32 v24, $0x2;
	v42 =	vsel vm0, $0x1, v1  }
0x13c: {  	vm1 =	vmand vm7, vm11;
	(xrf0) =	vadd.scan.msk.s32 $0xffff, v42;
	v43, _, _ =	vpop (xrf0)  }
0x13d: {  	vm2 =	veq.s32 v24, $0x3;
	v45 =	vsel vm1, $0x1, v1;
	v44 =	vadd.s32 v43, v22  }
0x13e: {  	vm2 =	vmand vm7, vm2;
	(xrf0) =	vadd.scan.msk.s32 $0xffff, v45;
	v25 =	vadd.s32 $0xFFFFFFFF, v44  }
0x13f: {  	vm6 =	veq.s32 v24, $0x4;
	v46 =	vsel vm2, $0x1, v1;
	vm3 =	vlt.s32 v25, $0x10  }
0x140: {  	(xrf0) =	vadd.scan.msk.s32 $0xffff, v46;
	vm4 =	vmand vm5, vm3;
	vm3 =	vmand vm7, vm6  }
0x141: {  	v47 =	vsel vm3, $0x1, v1  }
0x142: {  	vm12 =	veq.s32 v24, $0x5;
	vm13 =	veq.s32 v24, $0x6;
	vm9 =	veq.s32 v24, $0x7;
	v27, _, _ =	vpop (xrf0);
	(xrf0) =	vadd.scan.msk.s32 $0xffff, v47  }
0x143: {  	v48 =	vmpcnt.ones.xlane vm5;
	v27 =	vadd.s32 v27, v21;
	vm5 =	vmand vm7, vm12  }
0x144: {  	v49, _, _ =	vpop (xrf0);
	v27 =	vadd.s32 $0xFFFFFFFF, v27;
	vm6 =	vmand vm7, vm13;
	v28 =	vsel vm5, $0x1, v1  }
0x145: {  	v24 =	vadd.s32 v49, v20;
	vm8 =	vlt.s32 v27, $0x10;
	v50 =	vsel vm6, $0x1, v1;
	(xrf0) =	vadd.scan.msk.s32 $0xffff, v28  }
0x146: {  	vm7 =	vmand vm7, vm9;
	v24 =	vadd.s32 $0xFFFFFFFF, v24;
	v25 =	vnsel vm4, $0x0, v25;
	v29, _, _ =	vpop (xrf0);
	(xrf0) =	vadd.scan.msk.s32 $0xffff, v50  }
0x147: {  	vm8 =	vmand vm0, vm8;
	v51 =	vsel vm7, $0x1, v1;
	v29 =	vadd.s32 v29, v19  }
0x148: {  	vm14 =	vlt.s32 v24, $0x10;
	v25 =	vadd.s32 v7, v25;
	v52 =	vadd.s32 $0xFFFFFFFF, v29;
	v30, _, _ =	vpop (xrf0);
	(xrf0) =	vadd.scan.msk.s32 $0xffff, v51  }
0x149: {  	v27 =	vnsel vm8, $0x0, v27;
	vm9 =	vmand vm1, vm14;
	vm10 =	vlt.s32 v52, $0x10  }
0x14a: {  	v27 =	vadd.s32 v8, v27;
	v24 =	vnsel vm9, $0x0, v24;
	vm10 =	vmand vm2, vm10  }
0x14b: {  	v24 =	vadd.s32 v9, v24;
	v28 =	vnsel vm10, $0x0, v52;
	v53 =	vadd.s32 v30, v18;
	v54, _, _ =	vpop (xrf0)  }
0x14c: {  	v28 =	vadd.s32 v10, v28;
	v29 =	vadd.s32 $0xFFFFFFFF, v53;
	v31, _, _ =	vpop (xrf0);
	v30 =	vadd.s32 v54, v17  }
0x14d: {  	vm11 =	vlt.s32 v29, $0x10;
	v30 =	vadd.s32 $0xFFFFFFFF, v30;
	v31 =	vadd.s32 v31, v16  }
0x14e: {  	vm11 =	vmand vm3, vm11;
	vm12 =	vlt.s32 v30, $0x10;
	v31 =	vadd.s32 $0xFFFFFFFF, v31;
	v32, _, _ =	vpop (xrf0)  }
0x14f: {  	v29 =	vnsel vm11, $0x0, v29;
	vm12 =	vmand vm5, vm12;
	v32 =	vadd.s32 v32, v15  }
0x150: {  	vm13 =	vlt.s32 v31, $0x10;
	v29 =	vadd.s32 v11, v29;
	v32 =	vadd.s32 $0xFFFFFFFF, v32  }
0x151: {  	v30 =	vnsel vm12, $0x0, v30;
	vm13 =	vmand vm6, vm13;
	vm14 =	vlt.s32 v32, $0x10  }
0x152: {  	[tilespmem:v25+s12+$0x0] =	vst.idx.msk vm4, v23;
	v55 =	vadd.s32 v12, v30;
	v56 =	vnsel vm13, $0x0, v31;
	vm15 =	vmand vm7, vm14  }
0x153: {  	v57 =	vmpcnt.ones.xlane vm0;
	[tilespmem:v27+s12+$0x0] =	vst.idx.msk vm8, v23;
	v30 =	vadd.s32 v13, v56;
	v58 =	vnsel vm15, $0x0, v32  }
0x154: {  	p0 =	sne.s32 s0, $0x1;
	v59 =	vmpcnt.ones.xlane vm1;
	[tilespmem:v24+s12+$0x0] =	vst.idx.msk vm9, v23;
	v31 =	vadd.s32 v14, v58  }
.Ltmp8:
0x155: {  	v60 =	vmpcnt.ones.xlane vm2;
	v22 =	vadd.s32 v22, v48;
	v21 =	vadd.s32 v21, v57;
	[tilespmem:v28+s12+$0x0] =	vst.idx.msk vm10, v23;
	(pc) =	sbr.rel @p0 .LBB2_9-.Ltmp8, $4  }
0x156: {  	v20 =	vadd.s32 v20, v59;
	v61 =	vmpcnt.ones.xlane vm3;
	v33 =	vmpcnt.ones.xlane vm5;
	[tilespmem:v29+s12+$0x0] =	vst.idx.msk vm11, v23  }
0x157: {  	v62 =	vmpcnt.ones.xlane vm6;
	v63 =	vmpcnt.ones.xlane vm7;
	v19 =	vadd.s32 v19, v60;
	[tilespmem:v55+s12+$0x0] =	vst.idx.msk vm12, v23  }
0x158: {  	v18 =	vadd.s32 v18, v61;
	v17 =	vadd.s32 v17, v33;
	[tilespmem:v30+s12+$0x0] =	vst.idx.msk vm13, v23  }
0x159: {  	s1 =	sadd.s32 $0x10, s1;
	s4 =	sadd.s32 $0x10, s4;
	s0 =	sadd.s32 $0xFFFFFFFF, s0;
	v16 =	vadd.s32 v16, v62;
	v15 =	vadd.s32 v15, v63;
	[tilespmem:v31+s12+$0x0] =	vst.idx.msk vm15, v23  }
.Ltmp9:
0x15a: {  	_ = 	snop;
	(pc) =	sbr.rel .LBB2_10-.Ltmp9, $1  }
0x15b: {  	_ =	sdelay $0x3  }
.LBB2_12:
0x15c: {  	_ =	sfence.sel $0x180000  }
0x15d: {  	[bflag:$0x0] =	sbarrier.arrive $0xFFFF  }
0x15e: {  	_ =	strace $0x90000047  }
0x15f: {  	s0 =	stileid.u32;
	[bflag:$0x2] =	sbarrier.arrive $0xFFFF  }
0x160: {  	p0 =	sne.s32 s0, $0x0;
	s0 =	rddreg [dreg:$0x2]  }
0x161: {  	s0 =	sadd.s32 @!p0 $0x100000, s0  }
0x162: {  	[sflag:s0] =	ssyncadd.tile.s32 @!p0 $0x1;
	_ =	shalt  }
.Lfunc_end2:
_tile_overlayer_lowered:
.L_overlay_start_2:
0x163: {  	(tag) =	ssettag $0x2  }
0x164: {  	s0 =	rddreg [dreg:$0x0];
	s2 =	stileid.u32  }
0x165: {  	s1 =	rddreg [dreg:$0x1];
	p0 =	sne.s32 s2, $0x0  }
0x166: {  	s3 =	rddreg [dreg:$0x2];
	[bflag:$0x3] =	sbarrier.arrive $0xFFFF;
	s2 =	simm.s32 @!p0 $0x1C01  }
0x167: {  	[timem:s3], [sflag:s2] =	dma.local @!p0 [hbm:s0], s1  }
0x168: {  	s0 =	simm.s32 @!p0 $0x1  }
0x169: {  	_ =	swait.ge @!p0 [sflag:s0], s1  }
0x16a: {  	s1 =	ssub.s32 @!p0 $0x0, s1;
	[sflag:s0] =	ssyncset.done @!p0 $0x0  }
0x16b: {  	[sflag:s0] =	ssyncadd.s32 @!p0 s1  }
0x16c: {  	[bflag:$0x3] =	sbarrier.arrive $0xFFFF  }
0x16d: {  	_ =	shalt  }

</sc_bundles>
